<compile_context>
chip_gen: v7x
topology: tpu7x:2x2x1
jax: 0.10.2.dev20260603
libtpu: 0.0.44.dev20260713+nightly
codegen_flags: <defaults>
</compile_context>

<pallas_src>
import functools

import jax
import jax.numpy as jnp
import numpy as np
from jax import lax
from jax.experimental import pallas as pl
from jax.experimental.pallas import tpu as pltpu
from jax.experimental.pallas import tpu_sc as plsc

_NC = 2
_NS = 16
_NW = _NC * _NS
_LANES = 16

_BINS = 10
_SLOTS = (_BINS + 1) * _LANES
_HIST = 2 * _SLOTS

_P0 = 9.9560666e-01
_P1 = -4.4029690e-01
_P2 = 1.4102645e-01


def _sc_hist_kernel(n_total: int, chunk: int, unroll: int):
    per_w = n_total // _NW
    nchunk = per_w // chunk
    nvec = chunk // _LANES
    assert nchunk % 2 == 0 and nchunk >= 4

    mesh = plsc.VectorSubcoreMesh(core_axis_name="c", subcore_axis_name="s")

    @functools.partial(
        pl.kernel,
        mesh=mesh,
        out_type=jax.ShapeDtypeStruct((_NW, _HIST), jnp.float32),
        compiler_params=pltpu.CompilerParams(needs_layout_passes=False),
        scratch_types=[
            pltpu.VMEM((chunk,), jnp.float32),
            pltpu.VMEM((chunk,), jnp.float32),
            pltpu.VMEM((chunk,), jnp.int32),
            pltpu.VMEM((chunk,), jnp.int32),
            pltpu.VMEM((_HIST,), jnp.float32),
            pltpu.SemaphoreType.DMA((2,)),
        ],
    )
    def k(pred_hbm, tgt_hbm, out_hbm, xbuf0, xbuf1, tbuf0, tbuf1, hist, sem):
        xbufs = (xbuf0, xbuf1)
        tbufs = (tbuf0, tbuf1)
        wid = lax.axis_index("s") * _NC + lax.axis_index("c")
        base = wid * per_w

        zeros = jnp.zeros((_LANES,), jnp.float32)
        for i in range(_HIST // _LANES):
            hist[pl.ds(i * _LANES, _LANES)] = zeros

        lane = lax.iota(jnp.int32, _LANES)
        ones = jnp.ones((_LANES,), jnp.float32)

        def fire(slot, c):
            off = base + c * chunk
            pltpu.async_copy(pred_hbm.at[pl.ds(off, chunk)],
                             xbufs[slot], sem.at[slot])
            pltpu.async_copy(tgt_hbm.at[pl.ds(off, chunk)],
                             tbufs[slot], sem.at[slot])

        def drain(slot):
            pltpu.make_async_copy(pred_hbm.at[pl.ds(base, chunk)],
                                  xbufs[slot], sem.at[slot]).wait()
            pltpu.make_async_copy(tgt_hbm.at[pl.ds(base, chunk)],
                                  tbufs[slot], sem.at[slot]).wait()

        def compute(slot):
            xr = xbufs[slot]
            tr = tbufs[slot]

            @plsc.parallel_loop(0, nvec, unroll=unroll)
            def _vec(i):
                x = xr[pl.ds(i * _LANES, _LANES)]
                t = tr[pl.ds(i * _LANES, _LANES)]
                ax = jnp.abs(x)
                a = jnp.exp(-ax)
                mv = (t == 1) != (x > 0.0)
                inv = 1.0 / (1.0 + a)
                g = jnp.where(mv, inv, a * inv)
                l1p = _P2 * a + _P1
                l1p = l1p * a + _P0
                l1p = l1p * a
                le = jnp.where(mv, ax, 0.0) + l1p
                k_ = (g * 10.0).astype(jnp.int32)
                fidx = k_ * _LANES + lane
                plsc.addupdate_scatter(hist, [fidx], ones)
                plsc.addupdate_scatter(hist, [fidx + _SLOTS], le)

        fire(0, 0)
        fire(1, 1)

        @pl.loop(0, nchunk, step=2)
        def _chunks(c):
            for s in range(2):
                drain(s)
                compute(s)

                @pl.when(c + s + 2 < nchunk)
                def _():
                    fire(s, c + s + 2)

        pltpu.sync_copy(hist, out_hbm.at[wid])

    return k


def _combine_kernel(part_ref, sel_ref, out_ref):
    tot = jnp.sum(part_ref[...], axis=0, keepdims=True)
    s = jnp.dot(tot, sel_ref[...],
                preferred_element_type=jnp.float32)
    cnt = s[0, 0:_BINS]
    ls = s[0, _BINS + 1:2 * _BINS + 1]
    nz = cnt > 0.0
    n = jnp.sum(nz.astype(jnp.float32))
    terms = jnp.where(nz, ls / jnp.maximum(cnt, 1.0), 0.0)
    loss = jnp.where(n > 0.0, jnp.sum(terms) / jnp.maximum(n, 1.0), 0.0)
    out_ref[...] = jnp.reshape(loss, (1, 1))


def kernel(pred, target):
    n_total = pred.shape[0]
    t = jnp.reshape(target, (-1,))
    parts = _sc_hist_kernel(n_total, 16384, 8)(pred, t)
    ngroups = _HIST // _LANES
    sel = jnp.asarray(
        (np.arange(_HIST)[:, None] // _LANES
         == np.arange(ngroups)[None, :]).astype(np.float32))
    out = pl.pallas_call(
        _combine_kernel,
        out_shape=jax.ShapeDtypeStruct((1, 1), jnp.float32),
    )(parts, sel)
    return out[0, 0]

# --- scband reference (transcript-rebuilt; emitter-appended) ---
"""Pipeline reference for scband-ghmc-45810121179416 (READ-ONLY COPY).

The authoritative reference and input builder live on the scoring server;
editing this copy changes nothing except your own understanding.
"""

import jax, jax.numpy as jnp
import numpy as np

N = 16777216
BINS = 10


def setup_inputs(seed: int = 0) -> dict:
    key = jax.random.key(seed)
    k1, k2 = jax.random.split(key)
    pred = jax.random.normal(k1, (N,), dtype=jnp.float32)
    target = jax.random.randint(k2, (N, 1), 0, 2).astype(jnp.int32)
    return {"pred": pred, "target": target}


def reference(pred, target):
    bins = BINS
    t = jnp.squeeze(target, -1).astype(jnp.float32)
    p = jax.nn.sigmoid(pred).reshape(-1)
    tot = p.shape[0]
    edges = jnp.arange(bins + 1, dtype=jnp.float32) / bins
    g = jnp.abs(jax.lax.stop_gradient(p) - t)
    # bin i membership: g >= edges[i] & g < edges[i+1]  <=>  searchsorted(edges, g, 'right') - 1 == i
    idx = jnp.searchsorted(edges, g, side='right') - 1
    valid = (idx >= 0) & (idx < bins)
    idx_c = jnp.clip(idx, 0, bins - 1)
    counts = jnp.bincount(idx_c, weights=valid.astype(jnp.float32), length=bins)
    n = jnp.sum(counts > 0)
    per_elem_count = counts[idx_c]
    weights = jnp.where(valid & (per_elem_count > 0),
                        tot / jnp.maximum(per_elem_count, 1.0),
                        0.0)
    weights = jnp.where(n > 0, weights / jnp.maximum(n, 1).astype(jnp.float32), weights)
    # BCELoss with per-element weight (torch clamps log at -100)
    log_p = jnp.clip(jnp.log(p), -100.0, None)
    log_1mp = jnp.clip(jnp.log(1.0 - p), -100.0, None)
    loss_elem = -(t * log_p + (1.0 - t) * log_1mp)
    loss = jnp.mean(weights * loss_elem)
    return loss

if __name__ == "__main__":
    import jax
    _d = setup_inputs()
    print(jax.jit(kernel)(*tuple(_d.values())))

</pallas_src>

<mosaic_0001>
#map = affine_map<(d0, d1) -> (0)>
#map1 = affine_map<(d0, d1) -> (0, 0)>
module attributes {stable_mosaic.version = 14 : i64} {
  func.func @k(%arg0: i32, %arg1: i32, %arg2: memref<16777216xf32, #tpu.memory_space<hbm>>, %arg3: memref<16777216xi32, #tpu.memory_space<hbm>>, %arg4: memref<32x352xf32, #tpu.memory_space<hbm>>, %arg5: memref<16384xf32, #tpu.memory_space<vmem>>, %arg6: memref<16384xf32, #tpu.memory_space<vmem>>, %arg7: memref<16384xi32, #tpu.memory_space<vmem>>, %arg8: memref<16384xi32, #tpu.memory_space<vmem>>, %arg9: memref<352xf32, #tpu.memory_space<vmem>>, %arg10: memref<2x!tpu.dma_semaphore, #tpu.memory_space<semaphore_mem>>) attributes {dimension_semantics = [#tpu.dimension_semantics<core_parallel>, #tpu.dimension_semantics<subcore_parallel>], iteration_bounds = array<i64: 2, 16>, scalar_prefetch = 0 : i64, scratch_operands = 6 : i64, tpu.core_type = #tpu.core_type<sc_vector_subcore>, window_params = [{transform_indices = #map}, {transform_indices = #map}, {transform_indices = #map1}]} {
    %mul3A = arith.constant 2 : i32
    %mul3A_0 = arith.muli %arg1, %mul3A : i32
    %add3A = arith.addi %mul3A_0, %arg0 : i32
    %mul3A_1 = arith.constant 524288 : i32
    %mul3A_2 = arith.muli %add3A, %mul3A_1 : i32
    %broadcast_in_dim3A = arith.constant 0.000000e+00 : f32
    %broadcast_in_dim3A_3 = vector.broadcast %broadcast_in_dim3A : f32 to vector<16xf32>
    %swap3A = arith.constant 0 : index
    %swap3A_4 = tpu.vector_load %arg9[%swap3A] {strides = array<i32>} : memref<352xf32, #tpu.memory_space<vmem>>, vector<16xf32>,
    tpu.vector_store %arg9[%swap3A], %broadcast_in_dim3A_3 {strides = array<i32>} : memref<352xf32, #tpu.memory_space<vmem>>, vector<16xf32>,
    %swap3A_5 = arith.constant 16 : index
    %swap3A_6 = tpu.vector_load %arg9[%swap3A_5] {strides = array<i32>} : memref<352xf32, #tpu.memory_space<vmem>>, vector<16xf32>,
    tpu.vector_store %arg9[%swap3A_5], %broadcast_in_dim3A_3 {strides = array<i32>} : memref<352xf32, #tpu.memory_space<vmem>>, vector<16xf32>,
    %swap3A_7 = arith.constant 32 : index
    %swap3A_8 = tpu.vector_load %arg9[%swap3A_7] {strides = array<i32>} : memref<352xf32, #tpu.memory_space<vmem>>, vector<16xf32>,
    tpu.vector_store %arg9[%swap3A_7], %broadcast_in_dim3A_3 {strides = array<i32>} : memref<352xf32, #tpu.memory_space<vmem>>, vector<16xf32>,
    %swap3A_9 = arith.constant 48 : index
    %swap3A_10 = tpu.vector_load %arg9[%swap3A_9] {strides = array<i32>} : memref<352xf32, #tpu.memory_space<vmem>>, vector<16xf32>,
    tpu.vector_store %arg9[%swap3A_9], %broadcast_in_dim3A_3 {strides = array<i32>} : memref<352xf32, #tpu.memory_space<vmem>>, vector<16xf32>,
    %swap3A_11 = arith.constant 64 : index
    %swap3A_12 = tpu.vector_load %arg9[%swap3A_11] {strides = array<i32>} : memref<352xf32, #tpu.memory_space<vmem>>, vector<16xf32>,
    tpu.vector_store %arg9[%swap3A_11], %broadcast_in_dim3A_3 {strides = array<i32>} : memref<352xf32, #tpu.memory_space<vmem>>, vector<16xf32>,
    %swap3A_13 = arith.constant 80 : index
    %swap3A_14 = tpu.vector_load %arg9[%swap3A_13] {strides = array<i32>} : memref<352xf32, #tpu.memory_space<vmem>>, vector<16xf32>,
    tpu.vector_store %arg9[%swap3A_13], %broadcast_in_dim3A_3 {strides = array<i32>} : memref<352xf32, #tpu.memory_space<vmem>>, vector<16xf32>,
    %swap3A_15 = arith.constant 96 : index
    %swap3A_16 = tpu.vector_load %arg9[%swap3A_15] {strides = array<i32>} : memref<352xf32, #tpu.memory_space<vmem>>, vector<16xf32>,
    tpu.vector_store %arg9[%swap3A_15], %broadcast_in_dim3A_3 {strides = array<i32>} : memref<352xf32, #tpu.memory_space<vmem>>, vector<16xf32>,
    %swap3A_17 = arith.constant 112 : index
    %swap3A_18 = tpu.vector_load %arg9[%swap3A_17] {strides = array<i32>} : memref<352xf32, #tpu.memory_space<vmem>>, vector<16xf32>,
    tpu.vector_store %arg9[%swap3A_17], %broadcast_in_dim3A_3 {strides = array<i32>} : memref<352xf32, #tpu.memory_space<vmem>>, vector<16xf32>,
    %swap3A_19 = arith.constant 128 : index
    %swap3A_20 = tpu.vector_load %arg9[%swap3A_19] {strides = array<i32>} : memref<352xf32, #tpu.memory_space<vmem>>, vector<16xf32>,
    tpu.vector_store %arg9[%swap3A_19], %broadcast_in_dim3A_3 {strides = array<i32>} : memref<352xf32, #tpu.memory_space<vmem>>, vector<16xf32>,
    %swap3A_21 = arith.constant 144 : index
    %swap3A_22 = tpu.vector_load %arg9[%swap3A_21] {strides = array<i32>} : memref<352xf32, #tpu.memory_space<vmem>>, vector<16xf32>,
    tpu.vector_store %arg9[%swap3A_21], %broadcast_in_dim3A_3 {strides = array<i32>} : memref<352xf32, #tpu.memory_space<vmem>>, vector<16xf32>,
    %swap3A_23 = arith.constant 160 : index
    %swap3A_24 = tpu.vector_load %arg9[%swap3A_23] {strides = array<i32>} : memref<352xf32, #tpu.memory_space<vmem>>, vector<16xf32>,
    tpu.vector_store %arg9[%swap3A_23], %broadcast_in_dim3A_3 {strides = array<i32>} : memref<352xf32, #tpu.memory_space<vmem>>, vector<16xf32>,
    %swap3A_25 = arith.constant 176 : index
    %swap3A_26 = tpu.vector_load %arg9[%swap3A_25] {strides = array<i32>} : memref<352xf32, #tpu.memory_space<vmem>>, vector<16xf32>,
    tpu.vector_store %arg9[%swap3A_25], %broadcast_in_dim3A_3 {strides = array<i32>} : memref<352xf32, #tpu.memory_space<vmem>>, vector<16xf32>,
    %swap3A_27 = arith.constant 192 : index
    %swap3A_28 = tpu.vector_load %arg9[%swap3A_27] {strides = array<i32>} : memref<352xf32, #tpu.memory_space<vmem>>, vector<16xf32>,
    tpu.vector_store %arg9[%swap3A_27], %broadcast_in_dim3A_3 {strides = array<i32>} : memref<352xf32, #tpu.memory_space<vmem>>, vector<16xf32>,
    %swap3A_29 = arith.constant 208 : index
    %swap3A_30 = tpu.vector_load %arg9[%swap3A_29] {strides = array<i32>} : memref<352xf32, #tpu.memory_space<vmem>>, vector<16xf32>,
    tpu.vector_store %arg9[%swap3A_29], %broadcast_in_dim3A_3 {strides = array<i32>} : memref<352xf32, #tpu.memory_space<vmem>>, vector<16xf32>,
    %swap3A_31 = arith.constant 224 : index
    %swap3A_32 = tpu.vector_load %arg9[%swap3A_31] {strides = array<i32>} : memref<352xf32, #tpu.memory_space<vmem>>, vector<16xf32>,
    tpu.vector_store %arg9[%swap3A_31], %broadcast_in_dim3A_3 {strides = array<i32>} : memref<352xf32, #tpu.memory_space<vmem>>, vector<16xf32>,
    %swap3A_33 = arith.constant 240 : index
    %swap3A_34 = tpu.vector_load %arg9[%swap3A_33] {strides = array<i32>} : memref<352xf32, #tpu.memory_space<vmem>>, vector<16xf32>,
    tpu.vector_store %arg9[%swap3A_33], %broadcast_in_dim3A_3 {strides = array<i32>} : memref<352xf32, #tpu.memory_space<vmem>>, vector<16xf32>,
    %swap3A_35 = arith.constant 256 : index
    %swap3A_36 = tpu.vector_load %arg9[%swap3A_35] {strides = array<i32>} : memref<352xf32, #tpu.memory_space<vmem>>, vector<16xf32>,
    tpu.vector_store %arg9[%swap3A_35], %broadcast_in_dim3A_3 {strides = array<i32>} : memref<352xf32, #tpu.memory_space<vmem>>, vector<16xf32>,
    %swap3A_37 = arith.constant 272 : index
    %swap3A_38 = tpu.vector_load %arg9[%swap3A_37] {strides = array<i32>} : memref<352xf32, #tpu.memory_space<vmem>>, vector<16xf32>,
    tpu.vector_store %arg9[%swap3A_37], %broadcast_in_dim3A_3 {strides = array<i32>} : memref<352xf32, #tpu.memory_space<vmem>>, vector<16xf32>,
    %swap3A_39 = arith.constant 288 : index
    %swap3A_40 = tpu.vector_load %arg9[%swap3A_39] {strides = array<i32>} : memref<352xf32, #tpu.memory_space<vmem>>, vector<16xf32>,
    tpu.vector_store %arg9[%swap3A_39], %broadcast_in_dim3A_3 {strides = array<i32>} : memref<352xf32, #tpu.memory_space<vmem>>, vector<16xf32>,
    %swap3A_41 = arith.constant 304 : index
    %swap3A_42 = tpu.vector_load %arg9[%swap3A_41] {strides = array<i32>} : memref<352xf32, #tpu.memory_space<vmem>>, vector<16xf32>,
    tpu.vector_store %arg9[%swap3A_41], %broadcast_in_dim3A_3 {strides = array<i32>} : memref<352xf32, #tpu.memory_space<vmem>>, vector<16xf32>,
    %swap3A_43 = arith.constant 320 : index
    %swap3A_44 = tpu.vector_load %arg9[%swap3A_43] {strides = array<i32>} : memref<352xf32, #tpu.memory_space<vmem>>, vector<16xf32>,
    tpu.vector_store %arg9[%swap3A_43], %broadcast_in_dim3A_3 {strides = array<i32>} : memref<352xf32, #tpu.memory_space<vmem>>, vector<16xf32>,
    %swap3A_45 = arith.constant 336 : index
    %swap3A_46 = tpu.vector_load %arg9[%swap3A_45] {strides = array<i32>} : memref<352xf32, #tpu.memory_space<vmem>>, vector<16xf32>,
    tpu.vector_store %arg9[%swap3A_45], %broadcast_in_dim3A_3 {strides = array<i32>} : memref<352xf32, #tpu.memory_space<vmem>>, vector<16xf32>,
    %iota3A = tpu.iota {dimensions = array<i32: 0>} : vector<16xi32>
    %broadcast_in_dim3A_47 = arith.constant 1.000000e+00 : f32
    %broadcast_in_dim3A_48 = vector.broadcast %broadcast_in_dim3A_47 : f32 to vector<16xf32>
    %add3A_49 = arith.constant 0 : i32
    %add3A_50 = arith.addi %mul3A_2, %add3A_49 : i32
    %dma_start3A = arith.constant 0 : i32
    %dma_start3A_51 = tpu.memref_slice %arg2[%add3A_50] : memref<16777216xf32, #tpu.memory_space<hbm>> -> memref<16384xf32, #tpu.memory_space<hbm>>
    %dma_start3A_52 = tpu.memref_slice %arg10[%dma_start3A] : memref<2x!tpu.dma_semaphore, #tpu.memory_space<semaphore_mem>> -> memref<1x!tpu.dma_semaphore, #tpu.memory_space<semaphore_mem>>
    %dma_start3A_53 = tpu.memref_squeeze %dma_start3A_52 : memref<1x!tpu.dma_semaphore, #tpu.memory_space<semaphore_mem>> -> memref<!tpu.dma_semaphore, #tpu.memory_space<semaphore_mem>>
    %dma_start3A_54 = tpu.memref_slice %arg2[%add3A_50] : memref<16777216xf32, #tpu.memory_space<hbm>> -> memref<16384xf32, #tpu.memory_space<hbm>>
    tpu.enqueue_dma source(%dma_start3A_54 : memref<16384xf32, #tpu.memory_space<hbm>>) target(%arg5 : memref<16384xf32, #tpu.memory_space<vmem>>) target_semaphore(%dma_start3A_53 : memref<!tpu.dma_semaphore, #tpu.memory_space<semaphore_mem>>)
    %dma_start3A_55 = arith.constant 0 : i32
    %dma_start3A_56 = tpu.memref_slice %arg3[%add3A_50] : memref<16777216xi32, #tpu.memory_space<hbm>> -> memref<16384xi32, #tpu.memory_space<hbm>>
    %dma_start3A_57 = tpu.memref_slice %arg10[%dma_start3A_55] : memref<2x!tpu.dma_semaphore, #tpu.memory_space<semaphore_mem>> -> memref<1x!tpu.dma_semaphore, #tpu.memory_space<semaphore_mem>>
    %dma_start3A_58 = tpu.memref_squeeze %dma_start3A_57 : memref<1x!tpu.dma_semaphore, #tpu.memory_space<semaphore_mem>> -> memref<!tpu.dma_semaphore, #tpu.memory_space<semaphore_mem>>
    %dma_start3A_59 = tpu.memref_slice %arg3[%add3A_50] : memref<16777216xi32, #tpu.memory_space<hbm>> -> memref<16384xi32, #tpu.memory_space<hbm>>
    tpu.enqueue_dma source(%dma_start3A_59 : memref<16384xi32, #tpu.memory_space<hbm>>) target(%arg7 : memref<16384xi32, #tpu.memory_space<vmem>>) target_semaphore(%dma_start3A_58 : memref<!tpu.dma_semaphore, #tpu.memory_space<semaphore_mem>>)
    %add3A_60 = arith.constant 16384 : i32
    %add3A_61 = arith.addi %mul3A_2, %add3A_60 : i32
    %dma_start3A_62 = arith.constant 1 : i32
    %dma_start3A_63 = tpu.memref_slice %arg2[%add3A_61] : memref<16777216xf32, #tpu.memory_space<hbm>> -> memref<16384xf32, #tpu.memory_space<hbm>>
    %dma_start3A_64 = tpu.memref_slice %arg10[%dma_start3A_62] : memref<2x!tpu.dma_semaphore, #tpu.memory_space<semaphore_mem>> -> memref<1x!tpu.dma_semaphore, #tpu.memory_space<semaphore_mem>>
    %dma_start3A_65 = tpu.memref_squeeze %dma_start3A_64 : memref<1x!tpu.dma_semaphore, #tpu.memory_space<semaphore_mem>> -> memref<!tpu.dma_semaphore, #tpu.memory_space<semaphore_mem>>
    %dma_start3A_66 = tpu.memref_slice %arg2[%add3A_61] : memref<16777216xf32, #tpu.memory_space<hbm>> -> memref<16384xf32, #tpu.memory_space<hbm>>
    tpu.enqueue_dma source(%dma_start3A_66 : memref<16384xf32, #tpu.memory_space<hbm>>) target(%arg6 : memref<16384xf32, #tpu.memory_space<vmem>>) target_semaphore(%dma_start3A_65 : memref<!tpu.dma_semaphore, #tpu.memory_space<semaphore_mem>>)
    %dma_start3A_67 = arith.constant 1 : i32
    %dma_start3A_68 = tpu.memref_slice %arg3[%add3A_61] : memref<16777216xi32, #tpu.memory_space<hbm>> -> memref<16384xi32, #tpu.memory_space<hbm>>
    %dma_start3A_69 = tpu.memref_slice %arg10[%dma_start3A_67] : memref<2x!tpu.dma_semaphore, #tpu.memory_space<semaphore_mem>> -> memref<1x!tpu.dma_semaphore, #tpu.memory_space<semaphore_mem>>
    %dma_start3A_70 = tpu.memref_squeeze %dma_start3A_69 : memref<1x!tpu.dma_semaphore, #tpu.memory_space<semaphore_mem>> -> memref<!tpu.dma_semaphore, #tpu.memory_space<semaphore_mem>>
    %dma_start3A_71 = tpu.memref_slice %arg3[%add3A_61] : memref<16777216xi32, #tpu.memory_space<hbm>> -> memref<16384xi32, #tpu.memory_space<hbm>>
    tpu.enqueue_dma source(%dma_start3A_71 : memref<16384xi32, #tpu.memory_space<hbm>>) target(%arg8 : memref<16384xi32, #tpu.memory_space<vmem>>) target_semaphore(%dma_start3A_70 : memref<!tpu.dma_semaphore, #tpu.memory_space<semaphore_mem>>)
    %scan3A = arith.constant 0 : i32
    %scan3A_72 = arith.constant 16 : i32
    %scan3A_73 = arith.addi %scan3A, %scan3A_72 : i32
    %scan3A_74 = arith.constant 1 : i32
    scf.for %scan3A_76 = %scan3A to %scan3A_73 step %scan3A_74  : i32 {
      %mul3A_77 = arith.constant 2 : i32
      %mul3A_78 = arith.muli %scan3A_76, %mul3A_77 : i32
      %add3A_79 = arith.constant 0 : i32
      %add3A_80 = arith.addi %add3A_79, %mul3A_78 : i32
      %dma_wait3A = arith.constant 0 : i32
      %dma_wait3A_81 = tpu.memref_slice %arg2[%mul3A_2] : memref<16777216xf32, #tpu.memory_space<hbm>> -> memref<16384xf32, #tpu.memory_space<hbm>>
      %dma_wait3A_82 = tpu.memref_slice %arg10[%dma_wait3A] : memref<2x!tpu.dma_semaphore, #tpu.memory_space<semaphore_mem>> -> memref<1x!tpu.dma_semaphore, #tpu.memory_space<semaphore_mem>>
      %dma_wait3A_83 = tpu.memref_squeeze %dma_wait3A_82 : memref<1x!tpu.dma_semaphore, #tpu.memory_space<semaphore_mem>> -> memref<!tpu.dma_semaphore, #tpu.memory_space<semaphore_mem>>
      %dma_wait3A_84 = tpu.memref_slice %arg2[%mul3A_2] : memref<16777216xf32, #tpu.memory_space<hbm>> -> memref<16384xf32, #tpu.memory_space<hbm>>
      tpu.wait_dma2 semaphore(%dma_wait3A_83 : memref<!tpu.dma_semaphore, #tpu.memory_space<semaphore_mem>>) src(%dma_wait3A_84 : memref<16384xf32, #tpu.memory_space<hbm>>) dst(%arg5 : memref<16384xf32, #tpu.memory_space<vmem>>)
      %dma_wait3A_85 = arith.constant 0 : i32
      %dma_wait3A_86 = tpu.memref_slice %arg3[%mul3A_2] : memref<16777216xi32, #tpu.memory_space<hbm>> -> memref<16384xi32, #tpu.memory_space<hbm>>
      %dma_wait3A_87 = tpu.memref_slice %arg10[%dma_wait3A_85] : memref<2x!tpu.dma_semaphore, #tpu.memory_space<semaphore_mem>> -> memref<1x!tpu.dma_semaphore, #tpu.memory_space<semaphore_mem>>
      %dma_wait3A_88 = tpu.memref_squeeze %dma_wait3A_87 : memref<1x!tpu.dma_semaphore, #tpu.memory_space<semaphore_mem>> -> memref<!tpu.dma_semaphore, #tpu.memory_space<semaphore_mem>>
      %dma_wait3A_89 = tpu.memref_slice %arg3[%mul3A_2] : memref<16777216xi32, #tpu.memory_space<hbm>> -> memref<16384xi32, #tpu.memory_space<hbm>>
      tpu.wait_dma2 semaphore(%dma_wait3A_88 : memref<!tpu.dma_semaphore, #tpu.memory_space<semaphore_mem>>) src(%dma_wait3A_89 : memref<16384xi32, #tpu.memory_space<hbm>>) dst(%arg7 : memref<16384xi32, #tpu.memory_space<vmem>>)
      %parallel_loop3A = arith.constant 0 : i32
      %parallel_loop3A_90 = arith.constant 1024 : i32
      %parallel_loop3A_91 = arith.constant 1 : i32
      scf.for %parallel_loop3A_120 = %parallel_loop3A to %parallel_loop3A_90 step %parallel_loop3A_91  : i32 {
        %parallel_loop3A_121 = arith.constant 16 : i32
        %parallel_loop3A_122 = arith.muli %parallel_loop3A_120, %parallel_loop3A_121 : i32
        %parallel_loop3A_123 = arith.index_cast %parallel_loop3A_122 : i32 to index
        %parallel_loop3A_124 = tpu.vector_load %arg5[%parallel_loop3A_123] {strides = array<i32>} : memref<16384xf32, #tpu.memory_space<vmem>>, vector<16xf32>,
        %parallel_loop3A_125 = arith.constant 16 : i32
        %parallel_loop3A_126 = arith.muli %parallel_loop3A_120, %parallel_loop3A_125 : i32
        %parallel_loop3A_127 = arith.index_cast %parallel_loop3A_126 : i32 to index
        %parallel_loop3A_128 = tpu.vector_load %arg7[%parallel_loop3A_127] {strides = array<i32>} : memref<16384xi32, #tpu.memory_space<vmem>>, vector<16xi32>,
        %parallel_loop3A_129 = math.absf %parallel_loop3A_124 : vector<16xf32>
        %parallel_loop3A_130 = arith.constant 0.000000e+00 : f32
        %parallel_loop3A_131 = vector.broadcast %parallel_loop3A_130 : f32 to vector<16xf32>
        %parallel_loop3A_132 = arith.subf %parallel_loop3A_131, %parallel_loop3A_129 : vector<16xf32>
        %parallel_loop3A_133 = math.exp %parallel_loop3A_132 : vector<16xf32>
        %parallel_loop3A_134 = arith.constant 1 : i32
        %parallel_loop3A_135 = vector.broadcast %parallel_loop3A_134 : i32 to vector<16xi32>
        %parallel_loop3A_136 = arith.cmpi eq, %parallel_loop3A_128, %parallel_loop3A_135 : vector<16xi32>
        %parallel_loop3A_137 = arith.constant 0.000000e+00 : f32
        %parallel_loop3A_138 = vector.broadcast %parallel_loop3A_137 : f32 to vector<16xf32>
        %parallel_loop3A_139 = arith.cmpf ogt, %parallel_loop3A_124, %parallel_loop3A_138 : vector<16xf32>
        %parallel_loop3A_140 = arith.xori %parallel_loop3A_136, %parallel_loop3A_139 : vector<16xi1>
        %parallel_loop3A_141 = arith.constant 1.000000e+00 : f32
        %parallel_loop3A_142 = vector.broadcast %parallel_loop3A_141 : f32 to vector<16xf32>
        %parallel_loop3A_143 = arith.addf %parallel_loop3A_142, %parallel_loop3A_133 : vector<16xf32>
        %parallel_loop3A_144 = arith.constant 1.000000e+00 : f32
        %parallel_loop3A_145 = vector.broadcast %parallel_loop3A_144 : f32 to vector<16xf32>
        %parallel_loop3A_146 = arith.divf %parallel_loop3A_145, %parallel_loop3A_143 : vector<16xf32>
        %parallel_loop3A_147 = arith.mulf %parallel_loop3A_133, %parallel_loop3A_146 : vector<16xf32>
        %parallel_loop3A_148 = arith.select %parallel_loop3A_140, %parallel_loop3A_146, %parallel_loop3A_147 : vector<16xi1>, vector<16xf32>
        %parallel_loop3A_149 = arith.constant 0.141026452 : f32
        %parallel_loop3A_150 = vector.broadcast %parallel_loop3A_149 : f32 to vector<16xf32>
        %parallel_loop3A_151 = arith.mulf %parallel_loop3A_150, %parallel_loop3A_133 : vector<16xf32>
        %parallel_loop3A_152 = arith.constant -0.440296888 : f32
        %parallel_loop3A_153 = vector.broadcast %parallel_loop3A_152 : f32 to vector<16xf32>
        %parallel_loop3A_154 = arith.addf %parallel_loop3A_151, %parallel_loop3A_153 : vector<16xf32>
        %parallel_loop3A_155 = arith.mulf %parallel_loop3A_154, %parallel_loop3A_133 : vector<16xf32>
        %parallel_loop3A_156 = arith.constant 0.99560666 : f32
        %parallel_loop3A_157 = vector.broadcast %parallel_loop3A_156 : f32 to vector<16xf32>
        %parallel_loop3A_158 = arith.addf %parallel_loop3A_155, %parallel_loop3A_157 : vector<16xf32>
        %parallel_loop3A_159 = arith.mulf %parallel_loop3A_158, %parallel_loop3A_133 : vector<16xf32>
        %parallel_loop3A_160 = arith.constant 0.000000e+00 : f32
        %parallel_loop3A_161 = vector.broadcast %parallel_loop3A_160 : f32 to vector<16xf32>
        %parallel_loop3A_162 = arith.select %parallel_loop3A_140, %parallel_loop3A_129, %parallel_loop3A_161 : vector<16xi1>, vector<16xf32>
        %parallel_loop3A_163 = arith.addf %parallel_loop3A_162, %parallel_loop3A_159 : vector<16xf32>
        %parallel_loop3A_164 = arith.constant 1.000000e+01 : f32
        %parallel_loop3A_165 = vector.broadcast %parallel_loop3A_164 : f32 to vector<16xf32>
        %parallel_loop3A_166 = arith.mulf %parallel_loop3A_148, %parallel_loop3A_165 : vector<16xf32>
        %parallel_loop3A_167 = arith.fptosi %parallel_loop3A_166 : vector<16xf32> to vector<16xi32>
        %parallel_loop3A_168 = arith.constant 16 : i32
        %parallel_loop3A_169 = vector.broadcast %parallel_loop3A_168 : i32 to vector<16xi32>
        %parallel_loop3A_170 = arith.muli %parallel_loop3A_167, %parallel_loop3A_169 : vector<16xi32>
        %parallel_loop3A_171 = arith.addi %parallel_loop3A_170, %iota3A : vector<16xi32>
        tpu.vector_store_idx %arg9[%parallel_loop3A_171], %broadcast_in_dim3A_48 {add = true} : memref<352xf32, #tpu.memory_space<vmem>>[vector<16xi32>], vector<16xf32>,
        %parallel_loop3A_172 = arith.constant 176 : i32
        %parallel_loop3A_173 = vector.broadcast %parallel_loop3A_172 : i32 to vector<16xi32>
        %parallel_loop3A_174 = arith.addi %parallel_loop3A_171, %parallel_loop3A_173 : vector<16xi32>
        tpu.vector_store_idx %arg9[%parallel_loop3A_174], %parallel_loop3A_163 {add = true} : memref<352xf32, #tpu.memory_space<vmem>>[vector<16xi32>], vector<16xf32>,
      } {sc.loop_unroll_factor = 8 : i64, sc.parallel_access}
      %add3A_92 = arith.constant 0 : i32
      %add3A_93 = arith.addi %add3A_80, %add3A_92 : i32
      %add3A_94 = arith.constant 2 : i32
      %add3A_95 = arith.addi %add3A_93, %add3A_94 : i32
      %lt3A = arith.constant 32 : i32
      %lt3A_96 = arith.cmpi slt, %add3A_95, %lt3A : i32
      %convert_element_type3A = arith.extui %lt3A_96 : i1 to i32
      %cond3A = arith.constant 0 : i32
      %cond3A_97 = arith.cmpi ne, %convert_element_type3A, %cond3A : i32
      scf.if %cond3A_97 {
        %add3A_120 = arith.constant 0 : i32
        %add3A_121 = arith.addi %add3A_80, %add3A_120 : i32
        %add3A_122 = arith.constant 2 : i32
        %add3A_123 = arith.addi %add3A_121, %add3A_122 : i32
        %mul3A_124 = arith.constant 16384 : i32
        %mul3A_125 = arith.muli %add3A_123, %mul3A_124 : i32
        %add3A_126 = arith.addi %mul3A_2, %mul3A_125 : i32
        %dma_start3A_127 = arith.constant 0 : i32
        %dma_start3A_128 = tpu.memref_slice %arg2[%add3A_126] : memref<16777216xf32, #tpu.memory_space<hbm>> -> memref<16384xf32, #tpu.memory_space<hbm>>
        %dma_start3A_129 = tpu.memref_slice %arg10[%dma_start3A_127] : memref<2x!tpu.dma_semaphore, #tpu.memory_space<semaphore_mem>> -> memref<1x!tpu.dma_semaphore, #tpu.memory_space<semaphore_mem>>
        %dma_start3A_130 = tpu.memref_squeeze %dma_start3A_129 : memref<1x!tpu.dma_semaphore, #tpu.memory_space<semaphore_mem>> -> memref<!tpu.dma_semaphore, #tpu.memory_space<semaphore_mem>>
        %dma_start3A_131 = tpu.memref_slice %arg2[%add3A_126] : memref<16777216xf32, #tpu.memory_space<hbm>> -> memref<16384xf32, #tpu.memory_space<hbm>>
        tpu.enqueue_dma source(%dma_start3A_131 : memref<16384xf32, #tpu.memory_space<hbm>>) target(%arg5 : memref<16384xf32, #tpu.memory_space<vmem>>) target_semaphore(%dma_start3A_130 : memref<!tpu.dma_semaphore, #tpu.memory_space<semaphore_mem>>)
        %dma_start3A_132 = arith.constant 0 : i32
        %dma_start3A_133 = tpu.memref_slice %arg3[%add3A_126] : memref<16777216xi32, #tpu.memory_space<hbm>> -> memref<16384xi32, #tpu.memory_space<hbm>>
        %dma_start3A_134 = tpu.memref_slice %arg10[%dma_start3A_132] : memref<2x!tpu.dma_semaphore, #tpu.memory_space<semaphore_mem>> -> memref<1x!tpu.dma_semaphore, #tpu.memory_space<semaphore_mem>>
        %dma_start3A_135 = tpu.memref_squeeze %dma_start3A_134 : memref<1x!tpu.dma_semaphore, #tpu.memory_space<semaphore_mem>> -> memref<!tpu.dma_semaphore, #tpu.memory_space<semaphore_mem>>
        %dma_start3A_136 = tpu.memref_slice %arg3[%add3A_126] : memref<16777216xi32, #tpu.memory_space<hbm>> -> memref<16384xi32, #tpu.memory_space<hbm>>
        tpu.enqueue_dma source(%dma_start3A_136 : memref<16384xi32, #tpu.memory_space<hbm>>) target(%arg7 : memref<16384xi32, #tpu.memory_space<vmem>>) target_semaphore(%dma_start3A_135 : memref<!tpu.dma_semaphore, #tpu.memory_space<semaphore_mem>>)
      } else {
      }
      %dma_wait3A_98 = arith.constant 1 : i32
      %dma_wait3A_99 = tpu.memref_slice %arg2[%mul3A_2] : memref<16777216xf32, #tpu.memory_space<hbm>> -> memref<16384xf32, #tpu.memory_space<hbm>>
      %dma_wait3A_100 = tpu.memref_slice %arg10[%dma_wait3A_98] : memref<2x!tpu.dma_semaphore, #tpu.memory_space<semaphore_mem>> -> memref<1x!tpu.dma_semaphore, #tpu.memory_space<semaphore_mem>>
      %dma_wait3A_101 = tpu.memref_squeeze %dma_wait3A_100 : memref<1x!tpu.dma_semaphore, #tpu.memory_space<semaphore_mem>> -> memref<!tpu.dma_semaphore, #tpu.memory_space<semaphore_mem>>
      %dma_wait3A_102 = tpu.memref_slice %arg2[%mul3A_2] : memref<16777216xf32, #tpu.memory_space<hbm>> -> memref<16384xf32, #tpu.memory_space<hbm>>
      tpu.wait_dma2 semaphore(%dma_wait3A_101 : memref<!tpu.dma_semaphore, #tpu.memory_space<semaphore_mem>>) src(%dma_wait3A_102 : memref<16384xf32, #tpu.memory_space<hbm>>) dst(%arg6 : memref<16384xf32, #tpu.memory_space<vmem>>)
      %dma_wait3A_103 = arith.constant 1 : i32
      %dma_wait3A_104 = tpu.memref_slice %arg3[%mul3A_2] : memref<16777216xi32, #tpu.memory_space<hbm>> -> memref<16384xi32, #tpu.memory_space<hbm>>
      %dma_wait3A_105 = tpu.memref_slice %arg10[%dma_wait3A_103] : memref<2x!tpu.dma_semaphore, #tpu.memory_space<semaphore_mem>> -> memref<1x!tpu.dma_semaphore, #tpu.memory_space<semaphore_mem>>
      %dma_wait3A_106 = tpu.memref_squeeze %dma_wait3A_105 : memref<1x!tpu.dma_semaphore, #tpu.memory_space<semaphore_mem>> -> memref<!tpu.dma_semaphore, #tpu.memory_space<semaphore_mem>>
      %dma_wait3A_107 = tpu.memref_slice %arg3[%mul3A_2] : memref<16777216xi32, #tpu.memory_space<hbm>> -> memref<16384xi32, #tpu.memory_space<hbm>>
      tpu.wait_dma2 semaphore(%dma_wait3A_106 : memref<!tpu.dma_semaphore, #tpu.memory_space<semaphore_mem>>) src(%dma_wait3A_107 : memref<16384xi32, #tpu.memory_space<hbm>>) dst(%arg8 : memref<16384xi32, #tpu.memory_space<vmem>>)
      %parallel_loop3A_108 = arith.constant 0 : i32
      %parallel_loop3A_109 = arith.constant 1024 : i32
      %parallel_loop3A_110 = arith.constant 1 : i32
      scf.for %parallel_loop3A_120 = %parallel_loop3A_108 to %parallel_loop3A_109 step %parallel_loop3A_110  : i32 {
        %parallel_loop3A_121 = arith.constant 16 : i32
        %parallel_loop3A_122 = arith.muli %parallel_loop3A_120, %parallel_loop3A_121 : i32
        %parallel_loop3A_123 = arith.index_cast %parallel_loop3A_122 : i32 to index
        %parallel_loop3A_124 = tpu.vector_load %arg6[%parallel_loop3A_123] {strides = array<i32>} : memref<16384xf32, #tpu.memory_space<vmem>>, vector<16xf32>,
        %parallel_loop3A_125 = arith.constant 16 : i32
        %parallel_loop3A_126 = arith.muli %parallel_loop3A_120, %parallel_loop3A_125 : i32
        %parallel_loop3A_127 = arith.index_cast %parallel_loop3A_126 : i32 to index
        %parallel_loop3A_128 = tpu.vector_load %arg8[%parallel_loop3A_127] {strides = array<i32>} : memref<16384xi32, #tpu.memory_space<vmem>>, vector<16xi32>,
        %parallel_loop3A_129 = math.absf %parallel_loop3A_124 : vector<16xf32>
        %parallel_loop3A_130 = arith.constant 0.000000e+00 : f32
        %parallel_loop3A_131 = vector.broadcast %parallel_loop3A_130 : f32 to vector<16xf32>
        %parallel_loop3A_132 = arith.subf %parallel_loop3A_131, %parallel_loop3A_129 : vector<16xf32>
        %parallel_loop3A_133 = math.exp %parallel_loop3A_132 : vector<16xf32>
        %parallel_loop3A_134 = arith.constant 1 : i32
        %parallel_loop3A_135 = vector.broadcast %parallel_loop3A_134 : i32 to vector<16xi32>
        %parallel_loop3A_136 = arith.cmpi eq, %parallel_loop3A_128, %parallel_loop3A_135 : vector<16xi32>
        %parallel_loop3A_137 = arith.constant 0.000000e+00 : f32
        %parallel_loop3A_138 = vector.broadcast %parallel_loop3A_137 : f32 to vector<16xf32>
        %parallel_loop3A_139 = arith.cmpf ogt, %parallel_loop3A_124, %parallel_loop3A_138 : vector<16xf32>
        %parallel_loop3A_140 = arith.xori %parallel_loop3A_136, %parallel_loop3A_139 : vector<16xi1>
        %parallel_loop3A_141 = arith.constant 1.000000e+00 : f32
        %parallel_loop3A_142 = vector.broadcast %parallel_loop3A_141 : f32 to vector<16xf32>
        %parallel_loop3A_143 = arith.addf %parallel_loop3A_142, %parallel_loop3A_133 : vector<16xf32>
        %parallel_loop3A_144 = arith.constant 1.000000e+00 : f32
        %parallel_loop3A_145 = vector.broadcast %parallel_loop3A_144 : f32 to vector<16xf32>
        %parallel_loop3A_146 = arith.divf %parallel_loop3A_145, %parallel_loop3A_143 : vector<16xf32>
        %parallel_loop3A_147 = arith.mulf %parallel_loop3A_133, %parallel_loop3A_146 : vector<16xf32>
        %parallel_loop3A_148 = arith.select %parallel_loop3A_140, %parallel_loop3A_146, %parallel_loop3A_147 : vector<16xi1>, vector<16xf32>
        %parallel_loop3A_149 = arith.constant 0.141026452 : f32
        %parallel_loop3A_150 = vector.broadcast %parallel_loop3A_149 : f32 to vector<16xf32>
        %parallel_loop3A_151 = arith.mulf %parallel_loop3A_150, %parallel_loop3A_133 : vector<16xf32>
        %parallel_loop3A_152 = arith.constant -0.440296888 : f32
        %parallel_loop3A_153 = vector.broadcast %parallel_loop3A_152 : f32 to vector<16xf32>
        %parallel_loop3A_154 = arith.addf %parallel_loop3A_151, %parallel_loop3A_153 : vector<16xf32>
        %parallel_loop3A_155 = arith.mulf %parallel_loop3A_154, %parallel_loop3A_133 : vector<16xf32>
        %parallel_loop3A_156 = arith.constant 0.99560666 : f32
        %parallel_loop3A_157 = vector.broadcast %parallel_loop3A_156 : f32 to vector<16xf32>
        %parallel_loop3A_158 = arith.addf %parallel_loop3A_155, %parallel_loop3A_157 : vector<16xf32>
        %parallel_loop3A_159 = arith.mulf %parallel_loop3A_158, %parallel_loop3A_133 : vector<16xf32>
        %parallel_loop3A_160 = arith.constant 0.000000e+00 : f32
        %parallel_loop3A_161 = vector.broadcast %parallel_loop3A_160 : f32 to vector<16xf32>
        %parallel_loop3A_162 = arith.select %parallel_loop3A_140, %parallel_loop3A_129, %parallel_loop3A_161 : vector<16xi1>, vector<16xf32>
        %parallel_loop3A_163 = arith.addf %parallel_loop3A_162, %parallel_loop3A_159 : vector<16xf32>
        %parallel_loop3A_164 = arith.constant 1.000000e+01 : f32
        %parallel_loop3A_165 = vector.broadcast %parallel_loop3A_164 : f32 to vector<16xf32>
        %parallel_loop3A_166 = arith.mulf %parallel_loop3A_148, %parallel_loop3A_165 : vector<16xf32>
        %parallel_loop3A_167 = arith.fptosi %parallel_loop3A_166 : vector<16xf32> to vector<16xi32>
        %parallel_loop3A_168 = arith.constant 16 : i32
        %parallel_loop3A_169 = vector.broadcast %parallel_loop3A_168 : i32 to vector<16xi32>
        %parallel_loop3A_170 = arith.muli %parallel_loop3A_167, %parallel_loop3A_169 : vector<16xi32>
        %parallel_loop3A_171 = arith.addi %parallel_loop3A_170, %iota3A : vector<16xi32>
        tpu.vector_store_idx %arg9[%parallel_loop3A_171], %broadcast_in_dim3A_48 {add = true} : memref<352xf32, #tpu.memory_space<vmem>>[vector<16xi32>], vector<16xf32>,
        %parallel_loop3A_172 = arith.constant 176 : i32
        %parallel_loop3A_173 = vector.broadcast %parallel_loop3A_172 : i32 to vector<16xi32>
        %parallel_loop3A_174 = arith.addi %parallel_loop3A_171, %parallel_loop3A_173 : vector<16xi32>
        tpu.vector_store_idx %arg9[%parallel_loop3A_174], %parallel_loop3A_163 {add = true} : memref<352xf32, #tpu.memory_space<vmem>>[vector<16xi32>], vector<16xf32>,
      } {sc.loop_unroll_factor = 8 : i64, sc.parallel_access}
      %add3A_111 = arith.constant 1 : i32
      %add3A_112 = arith.addi %add3A_80, %add3A_111 : i32
      %add3A_113 = arith.constant 2 : i32
      %add3A_114 = arith.addi %add3A_112, %add3A_113 : i32
      %lt3A_115 = arith.constant 32 : i32
      %lt3A_116 = arith.cmpi slt, %add3A_114, %lt3A_115 : i32
      %convert_element_type3A_117 = arith.extui %lt3A_116 : i1 to i32
      %cond3A_118 = arith.constant 0 : i32
      %cond3A_119 = arith.cmpi ne, %convert_element_type3A_117, %cond3A_118 : i32
      scf.if %cond3A_119 {
        %add3A_120 = arith.constant 1 : i32
        %add3A_121 = arith.addi %add3A_80, %add3A_120 : i32
        %add3A_122 = arith.constant 2 : i32
        %add3A_123 = arith.addi %add3A_121, %add3A_122 : i32
        %mul3A_124 = arith.constant 16384 : i32
        %mul3A_125 = arith.muli %add3A_123, %mul3A_124 : i32
        %add3A_126 = arith.addi %mul3A_2, %mul3A_125 : i32
        %dma_start3A_127 = arith.constant 1 : i32
        %dma_start3A_128 = tpu.memref_slice %arg2[%add3A_126] : memref<16777216xf32, #tpu.memory_space<hbm>> -> memref<16384xf32, #tpu.memory_space<hbm>>
        %dma_start3A_129 = tpu.memref_slice %arg10[%dma_start3A_127] : memref<2x!tpu.dma_semaphore, #tpu.memory_space<semaphore_mem>> -> memref<1x!tpu.dma_semaphore, #tpu.memory_space<semaphore_mem>>
        %dma_start3A_130 = tpu.memref_squeeze %dma_start3A_129 : memref<1x!tpu.dma_semaphore, #tpu.memory_space<semaphore_mem>> -> memref<!tpu.dma_semaphore, #tpu.memory_space<semaphore_mem>>
        %dma_start3A_131 = tpu.memref_slice %arg2[%add3A_126] : memref<16777216xf32, #tpu.memory_space<hbm>> -> memref<16384xf32, #tpu.memory_space<hbm>>
        tpu.enqueue_dma source(%dma_start3A_131 : memref<16384xf32, #tpu.memory_space<hbm>>) target(%arg6 : memref<16384xf32, #tpu.memory_space<vmem>>) target_semaphore(%dma_start3A_130 : memref<!tpu.dma_semaphore, #tpu.memory_space<semaphore_mem>>)
        %dma_start3A_132 = arith.constant 1 : i32
        %dma_start3A_133 = tpu.memref_slice %arg3[%add3A_126] : memref<16777216xi32, #tpu.memory_space<hbm>> -> memref<16384xi32, #tpu.memory_space<hbm>>
        %dma_start3A_134 = tpu.memref_slice %arg10[%dma_start3A_132] : memref<2x!tpu.dma_semaphore, #tpu.memory_space<semaphore_mem>> -> memref<1x!tpu.dma_semaphore, #tpu.memory_space<semaphore_mem>>
        %dma_start3A_135 = tpu.memref_squeeze %dma_start3A_134 : memref<1x!tpu.dma_semaphore, #tpu.memory_space<semaphore_mem>> -> memref<!tpu.dma_semaphore, #tpu.memory_space<semaphore_mem>>
        %dma_start3A_136 = tpu.memref_slice %arg3[%add3A_126] : memref<16777216xi32, #tpu.memory_space<hbm>> -> memref<16384xi32, #tpu.memory_space<hbm>>
        tpu.enqueue_dma source(%dma_start3A_136 : memref<16384xi32, #tpu.memory_space<hbm>>) target(%arg8 : memref<16384xi32, #tpu.memory_space<vmem>>) target_semaphore(%dma_start3A_135 : memref<!tpu.dma_semaphore, #tpu.memory_space<semaphore_mem>>)
      } else {
      }
    }
    %scan3A_75 = arith.constant 16 : i32
    "tpu.region"() ({
      %run_scoped3A = tpu.sem_alloc : memref<!tpu.dma_semaphore, #tpu.memory_space<semaphore_mem>>
      %dma_start3A_76 = arith.constant 0 : i32
      %dma_start3A_77 = tpu.memref_slice %arg4[%add3A, %dma_start3A_76] : memref<32x352xf32, #tpu.memory_space<hbm>> -> memref<1x352xf32, #tpu.memory_space<hbm>>
      %dma_start3A_78 = tpu.memref_squeeze %dma_start3A_77 : memref<1x352xf32, #tpu.memory_space<hbm>> -> memref<352xf32, #tpu.memory_space<hbm>>
      %dma_start3A_79 = arith.constant 0 : i32
      %dma_start3A_80 = tpu.memref_slice %arg4[%add3A, %dma_start3A_79] : memref<32x352xf32, #tpu.memory_space<hbm>> -> memref<1x352xf32, #tpu.memory_space<hbm>>
      %dma_start3A_81 = tpu.memref_squeeze %dma_start3A_80 : memref<1x352xf32, #tpu.memory_space<hbm>> -> memref<352xf32, #tpu.memory_space<hbm>>
      tpu.enqueue_dma source(%arg9 : memref<352xf32, #tpu.memory_space<vmem>>) target(%dma_start3A_81 : memref<352xf32, #tpu.memory_space<hbm>>) target_semaphore(%run_scoped3A : memref<!tpu.dma_semaphore, #tpu.memory_space<semaphore_mem>>)
      %dma_wait3A = arith.constant 0 : i32
      %dma_wait3A_82 = tpu.memref_slice %arg4[%add3A, %dma_wait3A] : memref<32x352xf32, #tpu.memory_space<hbm>> -> memref<1x352xf32, #tpu.memory_space<hbm>>
      %dma_wait3A_83 = tpu.memref_squeeze %dma_wait3A_82 : memref<1x352xf32, #tpu.memory_space<hbm>> -> memref<352xf32, #tpu.memory_space<hbm>>
      %dma_wait3A_84 = arith.constant 0 : i32
      %dma_wait3A_85 = tpu.memref_slice %arg4[%add3A, %dma_wait3A_84] : memref<32x352xf32, #tpu.memory_space<hbm>> -> memref<1x352xf32, #tpu.memory_space<hbm>>
      %dma_wait3A_86 = tpu.memref_squeeze %dma_wait3A_85 : memref<1x352xf32, #tpu.memory_space<hbm>> -> memref<352xf32, #tpu.memory_space<hbm>>
      tpu.wait_dma2 semaphore(%run_scoped3A : memref<!tpu.dma_semaphore, #tpu.memory_space<semaphore_mem>>) src(%arg9 : memref<352xf32, #tpu.memory_space<vmem>>) dst(%dma_wait3A_86 : memref<352xf32, #tpu.memory_space<hbm>>)
      tpu.yield
    }) : () -> ()
    return
  }
}

module attributes {stable_mosaic.version = 14 : i64} {
  func.func @_combine_kernel(%arg0: memref<32x352xf32, #tpu.memory_space<vmem>>, %arg1: memref<352x22xf32, #tpu.memory_space<vmem>>, %arg2: memref<1x1xf32, #tpu.memory_space<vmem>>) attributes {dimension_semantics = [], scalar_prefetch = 0 : i64, scratch_operands = 0 : i64, tpu.core_type = #tpu.core_type<tc>} {
    %get3A = arith.constant 0 : index
    %get3A_0 = arith.constant 0 : index
    %get3A_1 = vector.load %arg0[%get3A, %get3A_0] : memref<32x352xf32, #tpu.memory_space<vmem>>, vector<32x352xf32>
    %reduce_sum3A = arith.constant dense<0.000000e+00> : vector<352xf32>
    %reduce_sum3A_2 = vector.multi_reduction <add>, %get3A_1, %reduce_sum3A [0] : vector<32x352xf32> to vector<352xf32>
    %broadcast_in_dim3A = vector.shape_cast %reduce_sum3A_2 : vector<352xf32> to vector<1x352xf32>
    %get3A_3 = arith.constant 0 : index
    %get3A_4 = arith.constant 0 : index
    %get3A_5 = vector.load %arg1[%get3A_3, %get3A_4] : memref<352x22xf32, #tpu.memory_space<vmem>>, vector<352x22xf32>
    %dot_general3A = arith.constant dense<0.000000e+00> : vector<1x22xf32>
    %dot_general3A_6 = tpu.matmul %broadcast_in_dim3A, %get3A_5, %dot_general3A {dimension_numbers = #tpu.dot_dimension_numbers<[1], [0], [0], [1], [0, 0, 1, 1], [], []>, transpose_lhs_hint = false} : vector<1x352xf32>, vector<352x22xf32>, vector<1x22xf32> -> vector<1x22xf32>
    %slice3A = vector.extract_strided_slice %dot_general3A_6 {offsets = [0, 0], sizes = [1, 10], strides = [1, 1]} : vector<1x22xf32> to vector<1x10xf32>
    %squeeze3A = vector.shape_cast %slice3A : vector<1x10xf32> to vector<10xf32>
    %slice3A_7 = vector.extract_strided_slice %dot_general3A_6 {offsets = [0, 11], sizes = [1, 10], strides = [1, 1]} : vector<1x22xf32> to vector<1x10xf32>
    %squeeze3A_8 = vector.shape_cast %slice3A_7 : vector<1x10xf32> to vector<10xf32>
    %gt3A = arith.constant 0.000000e+00 : f32
    %gt3A_9 = vector.broadcast %gt3A : f32 to vector<10xf32>
    %gt3A_10 = arith.cmpf ogt, %squeeze3A, %gt3A_9 : vector<10xf32>
    %convert_element_type3A = arith.extui %gt3A_10 : vector<10xi1> to vector<10xi32>
    %convert_element_type3A_11 = arith.sitofp %convert_element_type3A : vector<10xi32> to vector<10xf32>
    %reduce_sum3A_12 = vector.shape_cast %convert_element_type3A_11 : vector<10xf32> to vector<1x10xf32>
    %reduce_sum3A_13 = arith.constant dense<0.000000e+00> : vector<1xf32>
    %reduce_sum3A_14 = vector.multi_reduction <add>, %reduce_sum3A_12, %reduce_sum3A_13 [1] : vector<1x10xf32> to vector<1xf32>
    %reduce_sum3A_15 = vector.shape_cast %reduce_sum3A_14 : vector<1xf32> to vector<1x1xf32>
    %reduce_sum3A_16 = vector.extract %reduce_sum3A_15[0, 0] : f32 from vector<1x1xf32>
    %max3A = arith.constant 1.000000e+00 : f32
    %max3A_17 = vector.broadcast %max3A : f32 to vector<10xf32>
    %max3A_18 = arith.maximumf %squeeze3A, %max3A_17 : vector<10xf32>
    %div3A = arith.divf %squeeze3A_8, %max3A_18 : vector<10xf32>
    %jit3A = arith.constant 0.000000e+00 : f32
    %broadcast_in_dim3A_19 = vector.broadcast %jit3A : f32 to vector<10xf32>
    %select_n3A = arith.select %gt3A_10, %div3A, %broadcast_in_dim3A_19 : vector<10xi1>, vector<10xf32>
    %gt3A_20 = arith.constant 0.000000e+00 : f32
    %gt3A_21 = arith.cmpf ogt, %reduce_sum3A_16, %gt3A_20 : f32
    %reduce_sum3A_22 = vector.shape_cast %select_n3A : vector<10xf32> to vector<1x10xf32>
    %reduce_sum3A_23 = arith.constant dense<0.000000e+00> : vector<1xf32>
    %reduce_sum3A_24 = vector.multi_reduction <add>, %reduce_sum3A_22, %reduce_sum3A_23 [1] : vector<1x10xf32> to vector<1xf32>
    %reduce_sum3A_25 = vector.shape_cast %reduce_sum3A_24 : vector<1xf32> to vector<1x1xf32>
    %reduce_sum3A_26 = vector.extract %reduce_sum3A_25[0, 0] : f32 from vector<1x1xf32>
    %max3A_27 = arith.constant 1.000000e+00 : f32
    %max3A_28 = arith.maximumf %reduce_sum3A_16, %max3A_27 : f32
    %div3A_29 = arith.divf %reduce_sum3A_26, %max3A_28 : f32
    %jit3A_30 = arith.constant 0.000000e+00 : f32
    %select_n3A_31 = arith.select %gt3A_21, %div3A_29, %jit3A_30 : f32
    %reshape3A = vector.broadcast %select_n3A_31 : f32 to vector<1x1xf32>
    %swap3A = arith.constant 0 : index
    %swap3A_32 = arith.constant 0 : index
    %swap3A_33 = vector.load %arg2[%swap3A, %swap3A_32] : memref<1x1xf32, #tpu.memory_space<vmem>>, vector<1x1xf32>
    tpu.vector_store %arg2[%swap3A, %swap3A_32], %reshape3A {strides = array<i32>} : memref<1x1xf32, #tpu.memory_space<vmem>>, vector<1x1xf32>,
    return
  }
}

</mosaic_0001>

<sc_bundles>
// kernel: kernel.4.cloned.1.call-start
scs
__scs_entry_jumppad:
0x0: {  	(pc) =	sbr.rel $0x88, $3  }
0x1: {  	(tag) =	ssettag $0x0;
	lr =	simm.s32 $0x1  }
0x2: {  	[smem:$0x3F9F] =	sst lr;
	_ =	strace $0xD0000000  }
0x3: {  	_ = 	snop  }
0x4: {  	_ = 	snop  }
0x5: {  	_ = 	snop  }
0x6: {  	_ = 	snop  }
0x7: {  	_ = 	snop  }
__scs_overlays_trampoline_lowered:
0x8: {  	[smem:$0x3FAE] =	sst s0  }
0x9: {  	[smem:$0x3FAF] =	sst s1  }
0xa: {  	[smem:$0x3FB0] =	sst s2  }
0xb: {  	[smem:$0x3FB1] =	sst s3  }
0xc: {  	[smem:$0x3FB2] =	sst s4  }
0xd: {  	[smem:$0x3FB3] =	sst s5  }
0xe: {  	[smem:$0x3FB4] =	sst s6  }
0xf: {  	[smem:$0x3FB5] =	sst s7  }
0x10: {  	[smem:$0x3FB6] =	sst s8  }
0x11: {  	[smem:$0x3FB7] =	sst s9;
	s0 =	simm.s32 @!p0 $0x0  }
0x12: {  	s1 =	sld [smem:$0x3F9D];
	s0 =	simm.s32 @p0 $0x1  }
0x13: {  	[smem:$0x3FB8] =	sst s0;
	s0 =	simm.s32 @!p1 $0x0  }
0x14: {  	s2 =	sld [smem:$0x3F9C];
	s0 =	simm.s32 @p1 $0x1  }
0x15: {  	[smem:$0x3FB9] =	sst s0;
	s0 =	simm.s32 @!p2 $0x0  }
0x16: {  	s3 =	sld [smem:$0x3FDB];
	s0 =	simm.s32 @p2 $0x1  }
0x17: {  	s4 =	simm.s32 $0x1BF5;
	[smem:$0x3FBB] =	sst s0  }
0x18: {  	s0 =	sld [smem:$0x3F9E];
	_ =	swait.ge [sflag:s4], $0x0  }
0x19: {  	s7 =	sld [smem:$0x3F9F]  }
0x1a: {  	s8 =	sadd.s32 $0xFFFFE003, lr  }
0x1b: {  	s9 =	sadd.s32 $0xFFFFFEF7, lr;
	s5 =	simm.s32 $0xFFFFFFFF;
	p2 =	slt.u32 s8, $0xFFFFF086  }
0x1c: {  	p1 =	slt.u32 s9, $0xF7A;
	s5 =	simm.s32 @!p2 $0x0  }
0x1d: {  	s5 =	simm.s32 @p1 $0x1;
	p0 =	seq.s32 s7, s2  }
0x1e: {  	s7 =	smul.u32 @!p0 $0xF7A, s2;
	p2 =	seq.s32 @!p0 s5, $0x0  }
0x1f: {  	s9 =	smul.u32 $0xF7A, s1;
	s8 =	simm.s32 @!p0 $0x1BF5;
	p2 =	por !p2, p0  }
0x20: {  	[sflag:s8] =	ssyncset.s32 @!p0 $0xFFFFF086;
	s6 =	sadd.s32 @!p0 s3, s7;
	s7 =	simm.s32 @!p0 $0x108  }
0x21: {  	s3 =	sadd.s32 s3, s9;
	s6 =	sadd.s32 @!p0 $0x88, s6;
	s7 =	simm.s32 @p2 $0x1082  }
0x22: {  	[simem:s7], [sflag:s8] =	dma.local @!p0 [hbm:s6], $0xF7A  }
0x23: {  	s9 =	sor.u32 $0xD0000000, s2;
	s6 =	simm.s32 $0x108;
	_ =	swait.ge @!p0 [sflag:s8], $0x0  }
0x24: {  	s3 =	sadd.s32 $0x88, s3;
	s6 =	simm.s32 @!p1 $0x1082;
	[sflag:s4] =	ssyncset.s32 $0xFFFFF086  }
0x25: {  	[simem:s6], [sflag:s4] =	dma.local [hbm:s3], $0xF7A  }
0x26: {  	[smem:$0x3F9F] =	sst s1;
	(tag) =	ssettag s2;
	_ =	strace s9  }
0x27: {  	s1 =	sld [smem:$0x3FAF]  }
0x28: {  	s2 =	sld [smem:$0x3FB0]  }
0x29: {  	s4 =	sld [smem:$0x3FB2]  }
0x2a: {  	p0 =	seq.s32 s5, $0x0;
	s5 =	sld [smem:$0x3FB3]  }
0x2b: {  	s6 =	sld [smem:$0x3FB4]  }
0x2c: {  	s7 =	sld [smem:$0x3FB5]  }
0x2d: {  	s3 =	simm.s32 $0x108;
	s8 =	sld [smem:$0x3FB6]  }
0x2e: {  	s3 =	simm.s32 @!p0 $0x1082;
	s9 =	sld [smem:$0x3FB7]  }
0x2f: {  	lr =	sadd.s32 s0, s3;
	s0 =	sld [smem:$0x3FAE]  }
0x30: {  	s3 =	sld [smem:$0x3FB1]  }
0x31: {  	[smem:$0x3FBA] =	sst s10  }
0x32: {  	s10 =	sld [smem:$0x3FB8];
	_ =	sdelay $0x3  }
0x33: {  	p0 =	seq.s32 s10, $0x1;
	s10 =	sld [smem:$0x3FBA];
	_ =	sdelay $0x3  }
0x34: {  	[smem:$0x3FBA] =	sst s10  }
0x35: {  	s10 =	sld [smem:$0x3FB9];
	_ =	sdelay $0x3  }
0x36: {  	p1 =	seq.s32 s10, $0x1;
	s10 =	sld [smem:$0x3FBA];
	_ =	sdelay $0x3  }
0x37: {  	[smem:$0x3FBA] =	sst s10  }
0x38: {  	s10 =	sld [smem:$0x3FBB]  }
0x39: {  	_ = 	snop;
	(pc) =	sbr.ind lr, $3  }
0x3a: {  	_ = 	snop  }
0x3b: {  	_ = 	snop  }
0x3c: {  	p2 =	seq.s32 s10, $0x1;
	s10 =	sld [smem:$0x3FBA]  }
0x3d: {  	_ =	shalt  }
0x3e: {  	_ =	shalt  }
0x3f: {  	_ =	shalt  }
0x40: {  	_ =	shalt  }
0x41: {  	_ =	shalt  }
0x42: {  	_ =	shalt  }
0x43: {  	_ =	shalt  }
0x44: {  	_ =	shalt  }
0x45: {  	_ =	shalt  }
0x46: {  	_ =	shalt  }
0x47: {  	_ =	shalt  }
0x48: {  	_ =	shalt  }
0x49: {  	_ =	shalt  }
0x4a: {  	_ =	shalt  }
0x4b: {  	_ =	shalt  }
0x4c: {  	_ =	shalt  }
0x4d: {  	_ =	shalt  }
0x4e: {  	_ =	shalt  }
0x4f: {  	_ =	shalt  }
0x50: {  	_ =	shalt  }
0x51: {  	_ =	shalt  }
0x52: {  	_ =	shalt  }
0x53: {  	_ =	shalt  }
0x54: {  	_ =	shalt  }
0x55: {  	_ =	shalt  }
0x56: {  	_ =	shalt  }
0x57: {  	_ =	shalt  }
0x58: {  	_ =	shalt  }
0x59: {  	_ =	shalt  }
0x5a: {  	_ =	shalt  }
0x5b: {  	_ =	shalt  }
0x5c: {  	_ =	shalt  }
0x5d: {  	_ =	shalt  }
0x5e: {  	_ =	shalt  }
0x5f: {  	_ =	shalt  }
0x60: {  	_ =	shalt  }
0x61: {  	_ =	shalt  }
0x62: {  	_ =	shalt  }
0x63: {  	_ =	shalt  }
0x64: {  	_ =	shalt  }
0x65: {  	_ =	shalt  }
0x66: {  	_ =	shalt  }
0x67: {  	_ =	shalt  }
0x68: {  	_ =	shalt  }
0x69: {  	_ =	shalt  }
0x6a: {  	_ =	shalt  }
0x6b: {  	_ =	shalt  }
0x6c: {  	_ =	shalt  }
0x6d: {  	_ =	shalt  }
0x6e: {  	_ =	shalt  }
0x6f: {  	_ =	shalt  }
0x70: {  	_ =	shalt  }
0x71: {  	_ =	shalt  }
0x72: {  	_ =	shalt  }
0x73: {  	_ =	shalt  }
0x74: {  	_ =	shalt  }
0x75: {  	_ =	shalt  }
0x76: {  	_ =	shalt  }
0x77: {  	_ =	shalt  }
0x78: {  	_ =	shalt  }
0x79: {  	_ =	shalt  }
0x7a: {  	_ =	shalt  }
0x7b: {  	_ =	shalt  }
0x7c: {  	_ =	shalt  }
0x7d: {  	_ =	shalt  }
0x7e: {  	_ =	shalt  }
0x7f: {  	_ =	shalt  }
0x80: {  	_ =	shalt  }
0x81: {  	_ =	shalt  }
0x82: {  	_ =	shalt  }
0x83: {  	_ =	shalt  }
0x84: {  	_ =	shalt  }
0x85: {  	_ =	shalt  }
0x86: {  	_ =	shalt  }
0x87: {  	_ =	shalt  }
.Lfunc_end0:
.L_simem_size_0:
called_computation_lowered:
.L_overlay_start_0:
0x88: {  	s2 =	sld [smem:$0x3FD9]  }
0x89: {  	s3 =	sld [smem:$0x3FFE];
	_ =	sdelay $0x1  }
0x8a: {  	s1 =	srdreg.scid  }
0x8b: {  	s0 =	sand.u32 $0x1, s1  }
0x8c: {  	s17 =	sshll.u32 s0, $0xA;
	s2 =	sadd.s32 s3, s2  }
0x8d: {  	s2 =	sadd.s32 s2, s17  }
0x8e: {  	[smem:$0x3FC6] =	sst s2  }
0x8f: {  	_ = 	snop  }
0x90: {  	s2 =	sld [smem:$0x3FC9]  }
0x91: {  	s18 =	sld [smem:$0x3FC8];
	(tm) =	ssettm $0x1  }
0x92: {  	s4 =	sld [smem:$0x3FFB];
	_ =	sdelay $0x3  }
0x93: {  	_ =	strace s4  }
0x94: {  	s4 =	sld [smem:$0x3FFC];
	_ =	sdelay $0x3  }
0x95: {  	_ =	strace s4  }
0x96: {  	s4 =	sld [smem:$0x3FFD];
	_ =	sdelay $0x3  }
0x97: {  	_ =	strace s4  }
0x98: {  	_ =	strace $0x8FFFFFFF  }
0x99: {  	s19 =	sld [smem:$0x3FDB];
	_ =	sdelay $0x1  }
0x9a: {  	s5 =	simm.s32 $_scs_section_size  }
0x9b: {  	s6 =	simm.s32 $_size__tile_overlayer_lowered;
	s7 =	simm.s32 $_tile_overlayer_lowered  }
0x9c: {  	s22 =	simm.s32 $0x1BFF;
	s21 =	sshll.u32 s7, $0x1;
	s4 =	sadd.s32 s5, s19  }
0x9d: {  	s8 =	simm.s32 $0x0;
	s20 =	sshll.u32 s6, $0x1;
	s6 =	sadd.s32 s21, s4  }
0x9e: {  	[timem:s8], [sflag:s22] =	dma.local [hbm:s6], s20  }
0x9f: {  	_ =	swait.ge [sflag:s22], s20  }
0xa0: {  	s5 =	ssub.s32 $0x0, s20;
	[sflag:s22] =	ssyncset.done $0x0  }
0xa1: {  	[sflag:s22] =	ssyncadd.s32 s5;
	_ =	sdelay $0x1  }
0xa2: {  	s23 =	simm.s32 $0x1B8B  }
0xa3: {  	_ =	swait.ge [sflag:s23], $0x1  }
0xa4: {  	[sflag:s23] =	ssyncset.done $0x0  }
0xa5: {  	s25 =	simm.s32 $0x1B8E;
	s24 =	sld [smem:$0x3FFE];
	[sflag:s23] =	ssyncadd.s32 $0xFFFFFFFF  }
0xa6: {  	s26 =	simm.s32 $execute0_lowered;
	[smem:$0x3FD2] =	sst s25  }
0xa7: {  	s6 =	sshll.u32 s26, $0x1;
	_ =	strace $0x80000046;
	[dreg:$0x1] =	wrdreg $0xFFFFFFFF  }
0xa8: {  	s28 =	simm.s32 $_size_execute0_lowered;
	s4 =	sadd.s32 s4, s6;
	[dreg:$0x0] =	wrdreg $0x0  }
0xa9: {  	s6 =	sshll.u32 s28, $0x1;
	[dreg:$0x2] =	wrdreg s4  }
0xaa: {  	[dreg:$0x3] =	wrdreg s6  }
0xab: {  	[dreg:$0x4] =	wrdreg $0xC0  }
0xac: {  	_ =	task [dreg:s8], $0x5FFFF  }
0xad: {  	[dreg:$0x1] =	wrdreg $0xFFFFFFFF  }
0xae: {  	[dreg:$0x0] =	wrdreg $0x60  }
0xaf: {  	[dreg:$0x2] =	wrdreg s2  }
0xb0: {  	[dreg:$0x3] =	wrdreg s18  }
0xb1: {  	[dreg:$0x4] =	wrdreg s24  }
0xb2: {  	[dreg:$0x5] =	wrdreg $0x9  }
0xb3: {  	_ =	task.clear_ibuf [dreg:s8], $0x6FFFF;
	_ =	strace $0x90000046  }
0xb4: {  	s29 =	simm.s32 $0x9;
	_ =	strace $0x80000048  }
0xb5: {  	_ =	swait.ge [sflag:s29], $0x1  }
0xb6: {  	[sflag:s29] =	ssyncadd.s32 $0xFFFFFFFF  }
0xb7: {  	_ =	strace $0x90000048  }
0xb8: {  	_ =	sfence  }
0xb9: {  	s30 =	sld [smem:$0x0];
	_ =	sdelay $0x2  }
0xba: {  	s31 =	sshll.u32 s1, $0xD;
	s1 =	sshrl.u32 s1, $0x2  }
0xbb: {  	s3 =	sand.u32 $0x4000, s31;
	s1 =	sadd.s32 s1, s30  }
0xbc: {  	s0 =	sor.u32 s3, s0;
	s1 =	sshll.u32 s1, $0x11  }
0xbd: {  	s0 =	sor.u32 s1, s0  }
0xbe: {  	s0 =	sadd.s32 $0x8F2B, s0  }
0xbf: {  	[sflag:s0] =	ssyncadd.remote.s32 $0x1  }
0xc0: {  	_ =	sfence.sel $0xFFFF  }
0xc1: {  	[dreg:$0x0] =	wrdreg $0xFFFFFFFF;
	(pc) =	sbr.abs _section_cstart, $3  }
0xc2: {  	[dreg:$0x1] =	wrdreg $0xFFFFFFFF  }
0xc3: {  	_ =	task.clear_ibuf [dreg:s8], $0x2FFFF;
	_ =	strace $0x9FFFFFFF  }
0xc4: {  	(tm) =	ssettm $0x7FFFFFFF  }
0xc5: {  	_ =	shalt  }
tec
execute0_lowered:
.L_overlay_start_1:
0x0: {  	(tag) =	ssettag $0x1  }
0x1: {  	s1 =	rddreg [dreg:$0x0]  }
0x2: {  	s2 =	srdreg.scid;
	s3 =	rddreg [dreg:$0x1]  }
0x3: {  	s0 =	stileid.u32;
	s7 =	rddreg [dreg:$0x2]  }
0x4: {  	s4 =	simm.s32 $0x0;
	s13 =	simm.s32 $0x8000;
	s14 =	simm.s32 $0x4000  }
0x5: {  	s15 =	simm.s32 $0xC000;
	s16 =	simm.s32 $0x1;
	s17 =	simm.s32 $0x10000  }
0x6: {  	s18 =	simm.s32 $0x2;
	s19 =	simm.s32 $0x80;
	s20 =	simm.s32 $0x400  }
0x7: {  	s21 =	simm.s32 $0x3;
	s22 =	simm.s32 $0x0;
	s5 =	sand.u32 $0x1, s2  }
0x8: {  	s26 =	sshll.u32 s0, $0x1;
	s28 =	sshrl.u32 s0, $0x2;
	s2 =	rddreg [dreg:$0x3]  }
0x9: {  	[smem:$0x7FF] =	sst s4;
	s6 =	sor.u32 s5, s26;
	s8 =	smul.u32 $0xC00, s28  }
0xa: {  	_ =	strace $0x80000047;
	s5 =	ssub.s32 $0x2, s5;
	s9 =	sshll.u32 s6, $0x7  }
0xb: {  	s29 =	sshrl.u32 s5, $0x1;
	s30 =	sshll.u32 s6, $0x10;
	s10 =	sshll.u32 s6, $0x13  }
.Ltmp0:
0xc: {  	s9 =	sand.u32 $0x380, s9;
	s12 =	ssub.s32 s5, s29;
	(pc) =	sbr.rel .LBB2_1-.Ltmp0, $4  }
0xd: {  	s31 =	sor.u32 $0x800, s30;
	s5 =	sadd.s32 s1, s30;
	s8 =	sor.u32 s8, s9  }
0xe: {  	s6 =	sadd.s32 s3, s30;
	s9 =	sor.u32 $0x8000, s10;
	s8 =	sshrl.u32 s8, $0x3  }
0xf: {  	v0 =	vlaneseq.u32;
	s10 =	sor.u32 $0xC000, s10;
	s12 =	smax.u32 s12, $0x1;
	s11 =	sadd.s32 s8, s7  }
0x10: {  	v1 =	vimm.f32 $0.0e+00;
	v2 =	vimm.f32 $1.000000000e+00;
	v3 =	vor.u32 $0xB0, v0;
	s7 =	sadd.s32 s1, s31;
	s8 =	sadd.s32 s3, s31;
	s11 =	sadd.s32 $0x800, s11  }
.LBB2_8:
0x11: {  	s22 =	sadd.s32 $0x1, s22  }
0x12: {  	p0 =	sne.s32 s22, s12  }
.Ltmp1:
0x13: {  	_ = 	snop;
	(pc) =	sbr.rel @!p0 .LBB2_9-.Ltmp1, $4  }
0x14: {  	[hbm4b:s11+s19] =	stream.strided.scatter [tilespmem:s17], [sflag:$0x3], $0x180, s20, s19, $0x38;
	[tilespmem:$0x10180] =	vst v63  }
0x15: {  	_ =	swait.ge [sflag:s21], $0x180  }
0x16: {  	[sflag:s21] =	ssyncset.done $0x0  }
0x17: {  	[sflag:s21] =	ssyncadd.s32 $0xFFFFFE80  }
.LBB2_1:
0x18: {  	[tilespmem:$0x10000] =	vst v1  }
0x19: {  	[tilespmem:$0x10010] =	vst v1  }
0x1a: {  	[tilespmem:$0x10020] =	vst v1  }
0x1b: {  	[tilespmem:$0x10030] =	vst v1  }
0x1c: {  	[tilespmem:$0x10040] =	vst v1  }
0x1d: {  	[tilespmem:$0x10050] =	vst v1  }
0x1e: {  	[tilespmem:$0x10060] =	vst v1  }
0x1f: {  	[tilespmem:$0x10070] =	vst v1  }
0x20: {  	[tilespmem:$0x10080] =	vst v1  }
0x21: {  	[tilespmem:$0x10090] =	vst v1  }
0x22: {  	[tilespmem:$0x100A0] =	vst v1  }
0x23: {  	[tilespmem:$0x100B0] =	vst v1  }
0x24: {  	[tilespmem:$0x100C0] =	vst v1  }
0x25: {  	[tilespmem:$0x100D0] =	vst v1  }
0x26: {  	[tilespmem:$0x100E0] =	vst v1  }
0x27: {  	[tilespmem:$0x100F0] =	vst v1  }
0x28: {  	[tilespmem:$0x10100] =	vst v1  }
0x29: {  	[tilespmem:$0x10110] =	vst v1  }
0x2a: {  	[tilespmem:$0x10120] =	vst v1  }
0x2b: {  	[tilespmem:$0x10130] =	vst v1  }
0x2c: {  	[tilespmem:$0x10140] =	vst v1  }
0x2d: {  	[tilespmem:$0x10150] =	vst v1  }
0x2e: {  	[tilespmem:s4], [sflag:$0x1] =	stream.linear.gather [hbm4b:s5+s4], $0x4000, $0x38;
	[tilespmem:$0x10180] =	vst v63  }
0x2f: {  	_ = 	snop  }
0x30: {  	[tilespmem:s13], [sflag:$0x1] =	stream.linear.gather [hbm4b:s6+s4], $0x4000, $0x38;
	[tilespmem:$0x10180] =	vst v63  }
0x31: {  	_ = 	snop  }
0x32: {  	[tilespmem:s14], [sflag:$0x2] =	stream.linear.gather [hbm4b:s7+s4], $0x4000, $0x38;
	[tilespmem:$0x10180] =	vst v63  }
0x33: {  	s23 =	simm.s32 $0x0  }
0x34: {  	[tilespmem:s15], [sflag:$0x2] =	stream.linear.gather [hbm4b:s8+s4], $0x4000, $0x38;
	[tilespmem:$0x10180] =	vst v63  }
.LBB2_2:
0x35: {  	_ =	swait.ge [sflag:s16], $0x4000  }
0x36: {  	[sflag:s16] =	ssyncset.done $0x0  }
0x37: {  	[sflag:s16] =	ssyncadd.s32 $0xFFFFC000  }
0x38: {  	_ =	swait.ge [sflag:s16], $0x4000  }
0x39: {  	[sflag:s16] =	ssyncset.done $0x0  }
0x3a: {  	s24 =	simm.s32 $0x40;
	[sflag:s16] =	ssyncadd.s32 $0xFFFFC000  }
0x3b: {  	v18 =	vld [tilespmem:s24+$0x30];
	_ =	sdelay $0x1  }
0x3c: {  	v4 =	vld [tilespmem:s24+$0xFFFFFFD0]  }
0x3d: {  	v5 =	vld [tilespmem:s24+$0xFFFFFFE0]  }
0x3e: {  	v6 =	vld [tilespmem:s24+$0xFFFFFFF0]  }
0x3f: {  	v17 =	vand.u32 $0x7FFFFFFF, v18  }
0x40: {  	v9 =	vld [tilespmem:s24+$0xFFFFFFC0];
	v8 =	vsub.f32 $0.0e+00, v17  }
0x41: {  	v10 =	vld [tilespmem:s24+$0x10];
	v16 =	vand.u32 $0x7FFFFFFF, v4  }
0x42: {  	v7 =	vld [tilespmem:s24+$0x0];
	v11 =	vand.u32 $0x7FFFFFFF, v5;
	v13 =	vsub.f32 $0.0e+00, v16;
	v8 =	vmul.f32 $1.442695020e+00, v8  }
0x43: {  	v12 =	vand.u32 $0x7FFFFFFF, v6;
	v15 =	vsub.f32 $0.0e+00, v11  }
0x44: {  	v20 =	vsub.f32 $0.0e+00, v12;
	(erf) = vpow2.f32 v8;
	v8 =	vmul.f32 $1.442695020e+00, v13  }
0x45: {  	v22 =	vand.u32 $0x7FFFFFFF, v9;
	v23 =	vmul.f32 $1.442695020e+00, v15  }
0x46: {  	v14 =	vand.u32 $0x7FFFFFFF, v10;
	v20 =	vmul.f32 $1.442695020e+00, v20;
	(erf) = vpow2.f32 v8  }
0x47: {  	v19 =	vld [tilespmem:s24+$0x20];
	v24 =	vsub.f32 $0.0e+00, v22;
	v13 =	vand.u32 $0x7FFFFFFF, v7;
	(erf) = vpow2.f32 v23  }
0x48: {  	v25 =	vsub.f32 $0.0e+00, v14;
	v21 =	vsub.f32 $0.0e+00, v13;
	(erf) = vpow2.f32 v20  }
0x49: {  	v8 =	vmul.f32 $1.442695020e+00, v24  }
0x4a: {  	v21 =	vmul.f32 $1.442695020e+00, v21;
	v20 =	vmul.f32 $1.442695020e+00, v25  }
0x4b: {  	s24 =	simm.s32 $0x8040;
	(erf) = vpow2.f32 v8  }
0x4c: {  	v34 =	vld [tilespmem:s24+$0x0];
	v15 =	vand.u32 $0x7FFFFFFF, v19;
	(erf) = vpow2.f32 v21  }
0x4d: {  	v36 =	vld [tilespmem:s24+$0x10];
	v23 =	vsub.f32 $0.0e+00, v15;
	(erf) = vpow2.f32 v20  }
0x4e: {  	v39 =	vld [tilespmem:s24+$0x20];
	vm1 =	vgt.f32 v4, $0.0e+00;
	vm0 =	vgt.f32 v5, $0.0e+00;
	vm6 =	vgt.f32 v9, $0.0e+00;
	v20 =	vpop (erf)  }
0x4f: {  	vm3 =	vgt.f32 v6, $0.0e+00;
	vm2 =	vgt.f32 v7, $0.0e+00;
	v25 =	vld [tilespmem:s24+$0x30];
	v8 =	vmul.f32 $1.442695020e+00, v23;
	v4 =	vpop (erf)  }
0x50: {  	vm4 =	vgt.f32 v10, $0.0e+00;
	vm5 =	vgt.f32 v19, $0.0e+00;
	v21 =	vadd.f32 $1.000000000e+00, v20;
	v5 =	vpop (erf)  }
0x51: {  	vm8 =	vgt.f32 v18, $0.0e+00;
	(erf) = vpow2.f32 v8;
	v8 =	vadd.f32 $1.000000000e+00, v5;
	v6 =	vpop (erf)  }
0x52: {  	(erf) = vrcp.f32 v21;
	v7 =	vadd.f32 $1.000000000e+00, v4;
	v9 =	vadd.f32 $1.000000000e+00, v6  }
0x53: {  	vm12 =	veq.s32 v34, $0x1;
	vm13 =	veq.s32 v36, $0x1;
	vm14 =	veq.s32 v39, $0x1  }
0x54: {  	vm2 =	vmxor vm2, vm12;
	vm7 =	veq.s32 v25, $0x1;
	v25 =	vld [tilespmem:s24+$0xFFFFFFD0];
	v10 =	vpop (erf);
	(erf) = vrcp.f32 v7  }
0x55: {  	vm13 =	vmxor vm4, vm13;
	vm15 =	vmxor vm5, vm14;
	(erf) = vrcp.f32 v8;
	v8 =	vpop (erf)  }
0x56: {  	vm7 =	vmxor vm8, vm7;
	v7 =	vadd.f32 $1.000000000e+00, v10;
	(erf) = vrcp.f32 v9;
	v9 =	vpop (erf)  }
0x57: {  	v17 =	vnsel vm7, $0x0, v17;
	v19 =	vmul.f32 $1.410264520e-01, v4;
	v28 =	vadd.f32 $1.000000000e+00, v9  }
0x58: {  	v21 =	vmul.f32 $1.410264520e-01, v5;
	v23 =	vmul.f32 $1.410264520e-01, v6;
	v26 =	vadd.f32 $1.000000000e+00, v8  }
0x59: {  	v19 =	vadd.f32 $-4.402968880e-01, v19;
	vm9 =	veq.s32 v25, $0x1;
	(erf) = vrcp.f32 v7  }
0x5a: {  	v24 =	vmul.f32 $1.410264520e-01, v10;
	v21 =	vadd.f32 $-4.402968880e-01, v21;
	v7 =	vpop (erf);
	(erf) = vrcp.f32 v26  }
0x5b: {  	vm9 =	vmxor vm1, vm9;
	v27 =	vmul.f32 $1.410264520e-01, v8;
	(erf) = vrcp.f32 v28;
	v28 =	vpop (erf)  }
0x5c: {  	v23 =	vadd.f32 $-4.402968880e-01, v23;
	v30 =	vadd.f32 $1.000000000e+00, v7;
	v26 =	vld [tilespmem:s24+$0xFFFFFFC0];
	v18 =	vmul.f32 v28, v20  }
0x5d: {  	v24 =	vadd.f32 $-4.402968880e-01, v24;
	v29 =	vmul.f32 $1.410264520e-01, v9;
	v32 =	vadd.f32 $-4.402968880e-01, v27;
	v27 =	vld [tilespmem:s24+$0xFFFFFFF0]  }
0x5e: {  	v31 =	vmul.f32 $1.410264520e-01, v7;
	(erf) = vrcp.f32 v30;
	v18 =	vsel vm7, v28, v18  }
0x5f: {  	v28 =	vadd.f32 $-4.402968880e-01, v29;
	v29 =	vmul.f32 $1.410264520e-01, v20;
	v18 =	vmul.f32 $1.000000000e+01, v18  }
0x60: {  	v16 =	vnsel vm9, $0x0, v16;
	v24 =	vmul.f32 v24, v10;
	v30 =	vld [tilespmem:s24+$0xFFFFFFE0];
	v31 =	vadd.f32 $-4.402968880e-01, v31  }
0x61: {  	v33 =	vpop (erf);
	vm8 =	veq.s32 v26, $0x1;
	v29 =	vadd.f32 $-4.402968880e-01, v29;
	v18 =	vtrunc.f32 v18  }
0x62: {  	v26 =	vmul.f32 v33, v4;
	v35 =	vpop (erf);
	vm11 =	veq.s32 v27, $0x1;
	v18 =	vcvt.f32.s32 v18  }
0x63: {  	v37 =	vmul.f32 v35, v5;
	v38 =	vpop (erf);
	vm8 =	vmxor vm6, vm8;
	v29 =	vmul.f32 v29, v20  }
0x64: {  	vm3 =	vmxor vm3, vm11;
	v25 =	vmul.f32 v38, v6;
	v40 =	vpop (erf);
	v18 =	vshll.u32 v18, $0x4  }
0x65: {  	vm10 =	veq.s32 v30, $0x1;
	v41 =	vmul.f32 v40, v10;
	v30 =	vpop (erf);
	v29 =	vadd.f32 $9.956066600e-01, v29  }
0x66: {  	vm10 =	vmxor vm0, vm10;
	v25 =	vsel vm3, v38, v25;
	v27 =	vmul.f32 v30, v8;
	v42 =	vpop (erf)  }
0x67: {  	v44 =	vor.u32 v0, v18;
	v55 =	vadd.s32 v3, v18;
	v20 =	vmul.f32 v29, v20;
	v18 =	vpop (erf)  }
0x68: {  	v57 =	vsel vm8, v40, v41;
	v43 =	vmul.f32 v42, v9;
	v56 =	vmul.f32 v18, v7  }
0x69: {  	v20 =	vadd.f32 v20, v17;
	v17 =	vnsel vm8, $0x0, v22;
	v22 =	vsel vm9, v33, v26  }
0x6a: {  	v60 =	vmul.f32 $1.000000000e+01, v57;
	v26 =	vsel vm10, v35, v37;
	v22 =	vmul.f32 $1.000000000e+01, v22  }
0x6b: {  	v26 =	vmul.f32 $1.000000000e+01, v26;
	v36 =	vsel vm15, v18, v56;
	v18 =	vmul.f32 v19, v4  }
0x6c: {  	v58 =	vsel vm2, v30, v27;
	v19 =	vmul.f32 v21, v5;
	v21 =	vmul.f32 v23, v6  }
0x6d: {  	v27 =	vadd.f32 $9.956066600e-01, v24;
	v23 =	vmul.f32 v32, v8;
	v32 =	vtrunc.f32 v60  }
0x6e: {  	v59 =	vsel vm13, v42, v43;
	v61 =	vmul.f32 $1.000000000e+01, v36;
	v62 =	vtrunc.f32 v22  }
0x6f: {  	v26 =	vtrunc.f32 v26;
	v22 =	vnsel vm13, $0x0, v14;
	v29 =	vadd.f32 $9.956066600e-01, v18  }
0x70: {  	v18 =	vmul.f32 v28, v9;
	v28 =	vmul.f32 v31, v7;
	v30 =	vadd.f32 $9.956066600e-01, v21  }
0x71: {  	v21 =	vmul.f32 $1.000000000e+01, v25;
	v24 =	vadd.f32 $9.956066600e-01, v23;
	v23 =	vmul.f32 $1.000000000e+01, v58  }
0x72: {  	v31 =	vadd.f32 $9.956066600e-01, v19;
	v25 =	vmul.f32 $1.000000000e+01, v59;
	v35 =	vcvt.f32.s32 v62  }
0x73: {  	v33 =	vtrunc.f32 v61;
	v19 =	vadd.f32 $9.956066600e-01, v18;
	v18 =	vadd.f32 $9.956066600e-01, v28  }
0x74: {  	v28 =	vnsel vm10, $0x0, v11;
	v11 =	vnsel vm3, $0x0, v12;
	v12 =	vtrunc.f32 v21  }
0x75: {  	v21 =	vnsel vm2, $0x0, v13;
	v13 =	vtrunc.f32 v23;
	v63 =	vtrunc.f32 v25  }
0x76: {  	v25 =	vcvt.f32.s32 v32;
	v32 =	vcvt.f32.s32 v26;
	v23 =	vnsel vm15, $0x0, v15  }
0x77: {  	[tilespmem:v44+s17+$0x0] =	vst.idx.add.f32.msk $0xffff, v2;
	v26 =	vshll.u32 v35, $0x4;
	v15 =	vcvt.f32.s32 v12;
	v14 =	vcvt.f32.s32 v13  }
0x78: {  	s25 =	simm.s32 $0x0;
	s26 =	simm.s32 $0xC0;
	[tilespmem:v55+s17+$0x0] =	vst.idx.add.f32.msk $0xffff, v20;
	v13 =	vcvt.f32.s32 v63;
	v12 =	vcvt.f32.s32 v33;
	v25 =	vshll.u32 v25, $0x4  }
.LBB2_3:
0x79: {  	v20 =	vld [tilespmem:s26+$0x30];
	v10 =	vmul.f32 v27, v10;
	v4 =	vmul.f32 v29, v4;
	v27 =	vshll.u32 v32, $0x4  }
0x7a: {  	s25 =	sadd.s32 $0x8, s25;
	v5 =	vmul.f32 v31, v5;
	v6 =	vmul.f32 v30, v6;
	v30 =	vshll.u32 v15, $0x4;
	v29 =	vld [tilespmem:s26+$0xFFFFFFD0]  }
0x7b: {  	v8 =	vmul.f32 v24, v8;
	v31 =	vshll.u32 v14, $0x4;
	v9 =	vmul.f32 v19, v9;
	p0 =	slt.u32 s25, $0x3F8;
	v15 =	vld [tilespmem:s26+$0xFFFFFFE0]  }
0x7c: {  	v7 =	vmul.f32 v18, v7;
	v33 =	vshll.u32 v13, $0x4;
	v34 =	vshll.u32 v12, $0x4;
	v32 =	vld [tilespmem:s26+$0xFFFFFFF0]  }
0x7d: {  	v13 =	vor.u32 v0, v25;
	v10 =	vadd.f32 v10, v17;
	v36 =	vadd.f32 v4, v16;
	v35 =	vld [tilespmem:s26+$0x0]  }
0x7e: {  	v24 =	vadd.f32 v5, v28;
	v19 =	vadd.f32 v6, v11;
	v4 =	vld [tilespmem:s26+$0x10];
	v17 =	vand.u32 $0x7FFFFFFF, v20  }
0x7f: {  	v16 =	vand.u32 $0x7FFFFFFF, v29;
	vm0 =	vgt.f32 v29, $0.0e+00;
	v5 =	vld [tilespmem:s26+$0x20];
	v6 =	vsub.f32 $0.0e+00, v17  }
0x80: {  	v28 =	vld [tilespmem:s26+$0xFFFFFFC0];
	v14 =	vsub.f32 $0.0e+00, v16;
	v11 =	vand.u32 $0x7FFFFFFF, v15;
	vm1 =	vgt.f32 v15, $0.0e+00  }
0x81: {  	v18 =	vsub.f32 $0.0e+00, v11;
	v12 =	vand.u32 $0x7FFFFFFF, v32;
	v6 =	vmul.f32 $1.442695020e+00, v6  }
0x82: {  	v29 =	vmul.f32 $1.442695020e+00, v14;
	v37 =	vsub.f32 $0.0e+00, v12;
	v15 =	vand.u32 $0x7FFFFFFF, v35;
	[tilespmem:v13+s17+$0x0] =	vst.idx.add.f32.msk $0xffff, v2  }
0x83: {  	v38 =	vsub.f32 $0.0e+00, v15;
	v13 =	vand.u32 $0x7FFFFFFF, v4;
	(erf) = vpow2.f32 v6  }
0x84: {  	v6 =	vmul.f32 $1.442695020e+00, v18;
	v39 =	vsub.f32 $0.0e+00, v13;
	v14 =	vand.u32 $0x7FFFFFFF, v5  }
0x85: {  	v37 =	vmul.f32 $1.442695020e+00, v37;
	v18 =	vand.u32 $0x7FFFFFFF, v28;
	v40 =	vsub.f32 $0.0e+00, v14  }
0x86: {  	v38 =	vmul.f32 $1.442695020e+00, v38;
	v41 =	vsub.f32 $0.0e+00, v18;
	v39 =	vmul.f32 $1.442695020e+00, v39  }
0x87: {  	vm5 =	vgt.f32 v28, $0.0e+00;
	v28 =	vmul.f32 $1.442695020e+00, v40;
	(erf) = vpow2.f32 v29  }
0x88: {  	vm2 =	vgt.f32 v32, $0.0e+00;
	v29 =	vmul.f32 $1.442695020e+00, v41;
	(erf) = vpow2.f32 v6  }
0x89: {  	vm3 =	vgt.f32 v35, $0.0e+00;
	vm4 =	vgt.f32 v4, $0.0e+00;
	(erf) = vpow2.f32 v37  }
0x8a: {  	vm6 =	vgt.f32 v5, $0.0e+00;
	(erf) = vpow2.f32 v29;
	v29 =	vadd.f32 v8, v21  }
0x8b: {  	v22 =	vadd.f32 v9, v22;
	v21 =	vadd.f32 v7, v23;
	(erf) = vpow2.f32 v38  }
0x8c: {  	v6 =	vadd.s32 v3, v25;
	v7 =	vor.u32 v0, v26;
	(erf) = vpow2.f32 v39;
	v23 =	vpop (erf)  }
0x8d: {  	v8 =	vadd.s32 v3, v26;
	v5 =	vadd.f32 $1.000000000e+00, v23;
	(erf) = vpow2.f32 v28  }
0x8e: {  	v25 =	vor.u32 v0, v27;
	v26 =	vadd.s32 v3, v27;
	v27 =	vor.u32 v0, v30  }
0x8f: {  	v28 =	vadd.s32 v3, v30;
	v30 =	vor.u32 v0, v31;
	(erf) = vrcp.f32 v5  }
0x90: {  	v32 =	vor.u32 v0, v33;
	v33 =	vadd.s32 v3, v33;
	v31 =	vadd.s32 v3, v31;
	v4 =	vpop (erf)  }
0x91: {  	v37 =	vor.u32 v0, v34;
	v9 =	vadd.f32 $1.000000000e+00, v4;
	v35 =	vmul.f32 $1.410264520e-01, v4;
	v5 =	vpop (erf);
	[tilespmem:v6+s17+$0x0] =	vst.idx.add.f32.msk $0xffff, v10  }
0x92: {  	v34 =	vadd.s32 v3, v34;
	v38 =	vadd.f32 $1.000000000e+00, v5;
	v39 =	vmul.f32 $1.410264520e-01, v5;
	v6 =	vpop (erf);
	[tilespmem:v7+s17+$0x0] =	vst.idx.add.f32.msk $0xffff, v2  }
0x93: {  	s24 =	sadd.s32 $0x80, s24;
	v48 =	vadd.f32 $1.000000000e+00, v6;
	v40 =	vmul.f32 $1.410264520e-01, v6;
	v10 =	vpop (erf);
	(erf) = vrcp.f32 v9;
	[tilespmem:v8+s17+$0x0] =	vst.idx.add.f32.msk $0xffff, v36  }
0x94: {  	v36 =	vadd.f32 $1.000000000e+00, v10;
	v41 =	vmul.f32 $1.410264520e-01, v10;
	v42 =	vld [tilespmem:s24+$0x30];
	(erf) = vrcp.f32 v38;
	v8 =	vpop (erf)  }
0x95: {  	v38 =	vld [tilespmem:s24+$0xFFFFFFC0];
	v43 =	vadd.f32 $1.000000000e+00, v8;
	v44 =	vmul.f32 $1.410264520e-01, v8;
	(erf) = vrcp.f32 v48;
	v9 =	vpop (erf)  }
0x96: {  	v45 =	vld [tilespmem:s24+$0xFFFFFFD0];
	v50 =	vadd.f32 $1.000000000e+00, v9;
	v47 =	vmul.f32 $1.410264520e-01, v9;
	(erf) = vrcp.f32 v36;
	v7 =	vpop (erf)  }
0x97: {  	v36 =	vld [tilespmem:s24+$0xFFFFFFE0];
	v48 =	vadd.f32 $1.000000000e+00, v7;
	v49 =	vmul.f32 $1.410264520e-01, v7;
	(erf) = vrcp.f32 v43  }
0x98: {  	v35 =	vadd.f32 $-4.402968880e-01, v35;
	v41 =	vadd.f32 $-4.402968880e-01, v41;
	v43 =	vld [tilespmem:s24+$0xFFFFFFF0];
	(erf) = vrcp.f32 v50;
	v46 =	vpop (erf)  }
0x99: {  	vm8 =	vgt.f32 v20, $0.0e+00;
	v50 =	vld [tilespmem:s24+$0x0];
	vm7 =	veq.s32 v42, $0x1;
	v20 =	vmul.f32 v46, v23  }
0x9a: {  	v39 =	vadd.f32 $-4.402968880e-01, v39;
	v42 =	vld [tilespmem:s24+$0x10];
	vm7 =	vmxor vm8, vm7;
	(erf) = vrcp.f32 v48  }
0x9b: {  	v40 =	vadd.f32 $-4.402968880e-01, v40;
	v44 =	vadd.f32 $-4.402968880e-01, v44;
	v48 =	vld [tilespmem:s24+$0x20];
	v20 =	vsel vm7, v46, v20  }
0x9c: {  	v52 =	vmul.f32 $1.410264520e-01, v23;
	v46 =	vadd.f32 $-4.402968880e-01, v47;
	v20 =	vmul.f32 $1.000000000e+01, v20;
	v51 =	vpop (erf);
	[tilespmem:v25+s17+$0x0] =	vst.idx.add.f32.msk $0xffff, v2  }
0x9d: {  	vm8 =	veq.s32 v38, $0x1;
	v38 =	vadd.f32 $-4.402968880e-01, v49;
	v25 =	vmul.f32 v51, v4;
	v49 =	vpop (erf);
	[tilespmem:v26+s17+$0x0] =	vst.idx.add.f32.msk $0xffff, v24  }
0x9e: {  	v26 =	vadd.f32 $-4.402968880e-01, v52;
	v24 =	vmul.f32 v49, v5;
	v20 =	vtrunc.f32 v20;
	v47 =	vpop (erf);
	[tilespmem:v27+s17+$0x0] =	vst.idx.add.f32.msk $0xffff, v2  }
0x9f: {  	vm9 =	veq.s32 v45, $0x1;
	v27 =	vmul.f32 v47, v6;
	v20 =	vcvt.f32.s32 v20;
	v45 =	vpop (erf);
	[tilespmem:v28+s17+$0x0] =	vst.idx.add.f32.msk $0xffff, v19  }
0xa0: {  	vm10 =	veq.s32 v36, $0x1;
	v26 =	vmul.f32 v26, v23;
	v19 =	vmul.f32 v45, v10;
	v28 =	vpop (erf);
	[tilespmem:v30+s17+$0x0] =	vst.idx.add.f32.msk $0xffff, v2  }
0xa1: {  	vm11 =	veq.s32 v43, $0x1;
	v30 =	vmul.f32 v28, v8;
	v20 =	vshll.u32 v20, $0x4;
	v36 =	vpop (erf);
	[tilespmem:v31+s17+$0x0] =	vst.idx.add.f32.msk $0xffff, v29  }
0xa2: {  	v26 =	vadd.f32 $9.956066600e-01, v26;
	v29 =	vmul.f32 v36, v9;
	v31 =	vor.u32 v0, v20;
	[tilespmem:v32+s17+$0x0] =	vst.idx.add.f32.msk $0xffff, v2  }
0xa3: {  	vm12 =	veq.s32 v50, $0x1;
	vm13 =	veq.s32 v42, $0x1;
	v20 =	vadd.s32 v3, v20;
	v32 =	vpop (erf);
	[tilespmem:v33+s17+$0x0] =	vst.idx.add.f32.msk $0xffff, v22  }
0xa4: {  	vm14 =	veq.s32 v48, $0x1;
	v23 =	vmul.f32 v26, v23;
	v22 =	vmul.f32 v32, v7;
	[tilespmem:v37+s17+$0x0] =	vst.idx.add.f32.msk $0xffff, v2  }
0xa5: {  	vm8 =	vmxor vm5, vm8;
	v17 =	vnsel vm7, $0x0, v17;
	vm9 =	vmxor vm0, vm9;
	[tilespmem:v34+s17+$0x0] =	vst.idx.add.f32.msk $0xffff, v21  }
0xa6: {  	vm5 =	vmxor vm1, vm10;
	vm2 =	vmxor vm2, vm11;
	v21 =	vadd.f32 v23, v17  }
0xa7: {  	vm3 =	vmxor vm3, vm12;
	vm1 =	vmxor vm4, vm13;
	vm0 =	vmxor vm6, vm14;
	[tilespmem:v31+s17+$0x0] =	vst.idx.add.f32.msk $0xffff, v2  }
0xa8: {  	v19 =	vsel vm8, v45, v19;
	v17 =	vnsel vm8, $0x0, v18;
	v18 =	vsel vm9, v51, v25;
	[tilespmem:v20+s17+$0x0] =	vst.idx.add.f32.msk $0xffff, v21  }
0xa9: {  	v23 =	vsel vm3, v28, v30;
	v20 =	vsel vm5, v49, v24;
	v21 =	vsel vm2, v47, v27  }
0xaa: {  	v25 =	vsel vm1, v36, v29;
	v22 =	vsel vm0, v32, v22;
	v24 =	vmul.f32 v41, v10  }
0xab: {  	v16 =	vnsel vm9, $0x0, v16;
	v26 =	vmul.f32 v35, v4;
	v28 =	vmul.f32 v39, v5  }
0xac: {  	v32 =	vmul.f32 v44, v8;
	v27 =	vadd.f32 $9.956066600e-01, v24;
	v24 =	vmul.f32 v40, v6  }
0xad: {  	v33 =	vmul.f32 v38, v7;
	v29 =	vadd.f32 $9.956066600e-01, v26;
	v26 =	vmul.f32 v46, v9  }
0xae: {  	v34 =	vmul.f32 $1.000000000e+01, v19;
	v35 =	vmul.f32 $1.000000000e+01, v18;
	v31 =	vadd.f32 $9.956066600e-01, v28  }
0xaf: {  	v20 =	vmul.f32 $1.000000000e+01, v20;
	v21 =	vmul.f32 $1.000000000e+01, v21;
	v30 =	vadd.f32 $9.956066600e-01, v24  }
0xb0: {  	v23 =	vmul.f32 $1.000000000e+01, v23;
	v25 =	vmul.f32 $1.000000000e+01, v25;
	v24 =	vadd.f32 $9.956066600e-01, v32  }
0xb1: {  	v18 =	vadd.f32 $9.956066600e-01, v33;
	v19 =	vadd.f32 $9.956066600e-01, v26;
	v26 =	vmul.f32 $1.000000000e+01, v22  }
0xb2: {  	v22 =	vtrunc.f32 v34;
	v28 =	vnsel vm5, $0x0, v11;
	v32 =	vtrunc.f32 v35  }
0xb3: {  	v11 =	vnsel vm2, $0x0, v12;
	v20 =	vtrunc.f32 v20;
	v12 =	vtrunc.f32 v21  }
.Ltmp2:
0xb4: {  	v33 =	vtrunc.f32 v23;
	v34 =	vtrunc.f32 v25;
	v21 =	vnsel vm3, $0x0, v15;
	(pc) =	sbr.rel @p0 .LBB2_3-.Ltmp2, $4  }
0xb5: {  	v15 =	vcvt.f32.s32 v22;
	v22 =	vnsel vm1, $0x0, v13;
	v35 =	vtrunc.f32 v26  }
0xb6: {  	v23 =	vnsel vm0, $0x0, v14;
	v13 =	vcvt.f32.s32 v32;
	v32 =	vcvt.f32.s32 v20  }
0xb7: {  	v14 =	vcvt.f32.s32 v33;
	v25 =	vshll.u32 v15, $0x4;
	v15 =	vcvt.f32.s32 v12  }
0xb8: {  	s26 =	sadd.s32 $0x80, s26;
	v12 =	vcvt.f32.s32 v35;
	v26 =	vshll.u32 v13, $0x4;
	v13 =	vcvt.f32.s32 v34  }
0xb9: {  	v20 =	vor.u32 v0, v25  }
0xba: {  	v10 =	vmul.f32 v27, v10;
	v27 =	vor.u32 v0, v26  }
0xbb: {  	v25 =	vadd.s32 v3, v25;
	v32 =	vshll.u32 v32, $0x4  }
0xbc: {  	v26 =	vadd.s32 v3, v26;
	v4 =	vmul.f32 v29, v4;
	v5 =	vmul.f32 v31, v5  }
0xbd: {  	v15 =	vshll.u32 v15, $0x4;
	v10 =	vadd.f32 v10, v17;
	v17 =	vor.u32 v0, v32  }
0xbe: {  	v4 =	vadd.f32 v4, v16;
	v16 =	vor.u32 v0, v15;
	[tilespmem:v20+s17+$0x0] =	vst.idx.add.f32.msk $0xffff, v2  }
0xbf: {  	v6 =	vmul.f32 v30, v6;
	v20 =	vadd.s32 v3, v32;
	[tilespmem:v27+s17+$0x0] =	vst.idx.add.f32.msk $0xffff, v2  }
0xc0: {  	v5 =	vadd.f32 v5, v28;
	[tilespmem:v25+s17+$0x0] =	vst.idx.add.f32.msk $0xffff, v10;
	v10 =	vshll.u32 v14, $0x4;
	v14 =	vadd.s32 v3, v15  }
0xc1: {  	[tilespmem:v26+s17+$0x0] =	vst.idx.add.f32.msk $0xffff, v4;
	v4 =	vmul.f32 v24, v8;
	v8 =	vshll.u32 v13, $0x4;
	v15 =	vor.u32 v0, v10  }
0xc2: {  	v6 =	vadd.f32 v6, v11;
	[tilespmem:v17+s17+$0x0] =	vst.idx.add.f32.msk $0xffff, v2;
	v11 =	vor.u32 v0, v8  }
0xc3: {  	v10 =	vadd.s32 v3, v10;
	[tilespmem:v16+s17+$0x0] =	vst.idx.add.f32.msk $0xffff, v2  }
0xc4: {  	v8 =	vadd.s32 v3, v8;
	[tilespmem:v20+s17+$0x0] =	vst.idx.add.f32.msk $0xffff, v5;
	v5 =	vmul.f32 v19, v9;
	v9 =	vshll.u32 v12, $0x4  }
0xc5: {  	v12 =	vor.u32 v0, v9;
	[tilespmem:v14+s17+$0x0] =	vst.idx.add.f32.msk $0xffff, v6  }
0xc6: {  	v4 =	vadd.f32 v4, v21;
	v6 =	vadd.s32 v3, v9;
	[tilespmem:v15+s17+$0x0] =	vst.idx.add.f32.msk $0xffff, v2  }
0xc7: {  	v7 =	vmul.f32 v18, v7;
	v5 =	vadd.f32 v5, v22;
	[tilespmem:v11+s17+$0x0] =	vst.idx.add.f32.msk $0xffff, v2  }
0xc8: {  	s24 =	sshll.u32 s23, $0xF;
	p0 =	seq.s32 s23, $0xF;
	[tilespmem:v10+s17+$0x0] =	vst.idx.add.f32.msk $0xffff, v4  }
0xc9: {  	s25 =	sadd.s32 @!p0 s24, s9;
	v4 =	vadd.f32 v7, v23;
	[tilespmem:v8+s17+$0x0] =	vst.idx.add.f32.msk $0xffff, v5  }
0xca: {  	s25 =	sshrl.u32 @!p0 s25, $0x3;
	[tilespmem:v12+s17+$0x0] =	vst.idx.add.f32.msk $0xffff, v2  }
0xcb: {  	s28 =	simm.s32 @!p0 $0x0;
	s26 =	sadd.s32 @!p0 s1, s25;
	[tilespmem:v6+s17+$0x0] =	vst.idx.add.f32.msk $0xffff, v4  }
0xcc: {  	[tilespmem:s28], [sflag:$0x1] =	stream.linear.gather @!p0 [hbm4b:s26+s28], $0x4000, $0x38;
	[tilespmem:$0x10180] =	vst v63  }
0xcd: {  	s25 =	sadd.s32 @!p0 s3, s25;
	s26 =	simm.s32 @!p0 $0x8000  }
0xce: {  	[tilespmem:s26], [sflag:$0x1] =	stream.linear.gather @!p0 [hbm4b:s25+s28], $0x4000, $0x38;
	[tilespmem:$0x10180] =	vst v63  }
0xcf: {  	_ =	swait.ge [sflag:s18], $0x4000  }
0xd0: {  	[sflag:s18] =	ssyncset.done $0x0  }
0xd1: {  	[sflag:s18] =	ssyncadd.s32 $0xFFFFC000  }
0xd2: {  	_ =	swait.ge [sflag:s18], $0x4000  }
0xd3: {  	[sflag:s18] =	ssyncset.done $0x0  }
0xd4: {  	s31 =	simm.s32 $0x4040;
	[sflag:s18] =	ssyncadd.s32 $0xFFFFC000  }
0xd5: {  	v18 =	vld [tilespmem:s31+$0x30];
	_ =	sdelay $0x1  }
0xd6: {  	v4 =	vld [tilespmem:s31+$0xFFFFFFD0]  }
0xd7: {  	v5 =	vld [tilespmem:s31+$0xFFFFFFE0]  }
0xd8: {  	v6 =	vld [tilespmem:s31+$0xFFFFFFF0]  }
0xd9: {  	v17 =	vand.u32 $0x7FFFFFFF, v18  }
0xda: {  	v9 =	vld [tilespmem:s31+$0xFFFFFFC0];
	v8 =	vsub.f32 $0.0e+00, v17  }
0xdb: {  	v10 =	vld [tilespmem:s31+$0x10];
	v16 =	vand.u32 $0x7FFFFFFF, v4  }
0xdc: {  	v7 =	vld [tilespmem:s31+$0x0];
	v11 =	vand.u32 $0x7FFFFFFF, v5;
	v13 =	vsub.f32 $0.0e+00, v16;
	v8 =	vmul.f32 $1.442695020e+00, v8  }
0xdd: {  	v12 =	vand.u32 $0x7FFFFFFF, v6;
	v15 =	vsub.f32 $0.0e+00, v11  }
0xde: {  	v20 =	vsub.f32 $0.0e+00, v12;
	(erf) = vpow2.f32 v8;
	v8 =	vmul.f32 $1.442695020e+00, v13  }
0xdf: {  	v22 =	vand.u32 $0x7FFFFFFF, v9;
	v23 =	vmul.f32 $1.442695020e+00, v15  }
0xe0: {  	v14 =	vand.u32 $0x7FFFFFFF, v10;
	v20 =	vmul.f32 $1.442695020e+00, v20;
	(erf) = vpow2.f32 v8  }
0xe1: {  	v19 =	vld [tilespmem:s31+$0x20];
	v24 =	vsub.f32 $0.0e+00, v22;
	v13 =	vand.u32 $0x7FFFFFFF, v7;
	(erf) = vpow2.f32 v23  }
0xe2: {  	v25 =	vsub.f32 $0.0e+00, v14;
	v21 =	vsub.f32 $0.0e+00, v13;
	(erf) = vpow2.f32 v20  }
0xe3: {  	s25 =	simm.s32 $0xC040;
	v8 =	vmul.f32 $1.442695020e+00, v24  }
0xe4: {  	v34 =	vld [tilespmem:s25+$0x0];
	v21 =	vmul.f32 $1.442695020e+00, v21;
	v20 =	vmul.f32 $1.442695020e+00, v25  }
0xe5: {  	v36 =	vld [tilespmem:s25+$0x10];
	vm1 =	vgt.f32 v4, $0.0e+00;
	(erf) = vpow2.f32 v8  }
0xe6: {  	v39 =	vld [tilespmem:s25+$0x20];
	vm0 =	vgt.f32 v5, $0.0e+00;
	v15 =	vand.u32 $0x7FFFFFFF, v19;
	(erf) = vpow2.f32 v21  }
0xe7: {  	vm6 =	vgt.f32 v9, $0.0e+00;
	v23 =	vsub.f32 $0.0e+00, v15;
	(erf) = vpow2.f32 v20  }
0xe8: {  	vm3 =	vgt.f32 v6, $0.0e+00;
	vm2 =	vgt.f32 v7, $0.0e+00;
	vm4 =	vgt.f32 v10, $0.0e+00;
	v25 =	vld [tilespmem:s25+$0x30];
	v20 =	vpop (erf)  }
0xe9: {  	vm5 =	vgt.f32 v19, $0.0e+00;
	vm8 =	vgt.f32 v18, $0.0e+00;
	v8 =	vmul.f32 $1.442695020e+00, v23;
	v4 =	vpop (erf)  }
0xea: {  	vm12 =	veq.s32 v34, $0x1;
	vm13 =	veq.s32 v36, $0x1;
	v21 =	vadd.f32 $1.000000000e+00, v20;
	v5 =	vpop (erf)  }
0xeb: {  	vm14 =	veq.s32 v39, $0x1;
	(erf) = vpow2.f32 v8;
	v8 =	vadd.f32 $1.000000000e+00, v5;
	v6 =	vpop (erf)  }
0xec: {  	(erf) = vrcp.f32 v21;
	v7 =	vadd.f32 $1.000000000e+00, v4;
	v9 =	vadd.f32 $1.000000000e+00, v6  }
0xed: {  	vm2 =	vmxor vm2, vm12;
	vm13 =	vmxor vm4, vm13;
	vm7 =	veq.s32 v25, $0x1;
	v25 =	vld [tilespmem:s25+$0xFFFFFFD0]  }
0xee: {  	vm15 =	vmxor vm5, vm14;
	vm7 =	vmxor vm8, vm7;
	v10 =	vpop (erf);
	(erf) = vrcp.f32 v7  }
0xef: {  	v17 =	vnsel vm7, $0x0, v17;
	v19 =	vmul.f32 $1.410264520e-01, v4;
	(erf) = vrcp.f32 v8;
	v8 =	vpop (erf)  }
0xf0: {  	v21 =	vmul.f32 $1.410264520e-01, v5;
	v7 =	vadd.f32 $1.000000000e+00, v10;
	(erf) = vrcp.f32 v9;
	v9 =	vpop (erf)  }
0xf1: {  	v23 =	vmul.f32 $1.410264520e-01, v6;
	v19 =	vadd.f32 $-4.402968880e-01, v19;
	v28 =	vadd.f32 $1.000000000e+00, v9  }
0xf2: {  	vm9 =	veq.s32 v25, $0x1;
	v24 =	vmul.f32 $1.410264520e-01, v10;
	v26 =	vadd.f32 $1.000000000e+00, v8  }
0xf3: {  	v21 =	vadd.f32 $-4.402968880e-01, v21;
	vm9 =	vmxor vm1, vm9;
	(erf) = vrcp.f32 v7  }
0xf4: {  	v23 =	vadd.f32 $-4.402968880e-01, v23;
	v27 =	vmul.f32 $1.410264520e-01, v8;
	v7 =	vpop (erf);
	(erf) = vrcp.f32 v26  }
0xf5: {  	v16 =	vnsel vm9, $0x0, v16;
	v30 =	vadd.f32 $1.000000000e+00, v7;
	v26 =	vld [tilespmem:s25+$0xFFFFFFC0];
	(erf) = vrcp.f32 v28;
	v28 =	vpop (erf)  }
0xf6: {  	v29 =	vmul.f32 $1.410264520e-01, v9;
	v54 =	vadd.f32 $-4.402968880e-01, v27;
	v27 =	vld [tilespmem:s25+$0xFFFFFFF0];
	v18 =	vmul.f32 v28, v20  }
0xf7: {  	v24 =	vadd.f32 $-4.402968880e-01, v24;
	v31 =	vmul.f32 $1.410264520e-01, v7;
	(erf) = vrcp.f32 v30  }
0xf8: {  	v18 =	vsel vm7, v28, v18;
	v28 =	vadd.f32 $-4.402968880e-01, v29;
	v29 =	vmul.f32 $1.410264520e-01, v20  }
0xf9: {  	v24 =	vmul.f32 v24, v10;
	v30 =	vld [tilespmem:s25+$0xFFFFFFE0];
	v31 =	vadd.f32 $-4.402968880e-01, v31;
	v33 =	vpop (erf);
	v18 =	vmul.f32 $1.000000000e+01, v18  }
0xfa: {  	vm8 =	veq.s32 v26, $0x1;
	v26 =	vmul.f32 v33, v4;
	v35 =	vpop (erf);
	v29 =	vadd.f32 $-4.402968880e-01, v29  }
0xfb: {  	vm11 =	veq.s32 v27, $0x1;
	v37 =	vmul.f32 v35, v5;
	v38 =	vpop (erf);
	v18 =	vtrunc.f32 v18  }
0xfc: {  	vm8 =	vmxor vm6, vm8;
	v40 =	vpop (erf);
	v18 =	vcvt.f32.s32 v18;
	v29 =	vmul.f32 v29, v20  }
0xfd: {  	vm3 =	vmxor vm3, vm11;
	v25 =	vmul.f32 v38, v6;
	v41 =	vmul.f32 v40, v10  }
0xfe: {  	vm10 =	veq.s32 v30, $0x1;
	v30 =	vpop (erf);
	v18 =	vshll.u32 v18, $0x4;
	v29 =	vadd.f32 $9.956066600e-01, v29  }
0xff: {  	vm10 =	vmxor vm0, vm10;
	v27 =	vmul.f32 v30, v8;
	v57 =	vsel vm8, v40, v41  }
0x100: {  	v25 =	vsel vm3, v38, v25;
	v42 =	vpop (erf);
	v60 =	vmul.f32 $1.000000000e+01, v57;
	v20 =	vmul.f32 v29, v20  }
0x101: {  	v43 =	vmul.f32 v42, v9;
	v44 =	vor.u32 v0, v18;
	v55 =	vadd.s32 v3, v18;
	v18 =	vpop (erf)  }
0x102: {  	v32 =	vtrunc.f32 v60;
	v56 =	vmul.f32 v18, v7;
	v20 =	vadd.f32 v20, v17  }
0x103: {  	v17 =	vnsel vm8, $0x0, v22;
	v22 =	vsel vm9, v33, v26;
	v26 =	vsel vm10, v35, v37  }
0x104: {  	v58 =	vsel vm2, v30, v27;
	v22 =	vmul.f32 $1.000000000e+01, v22;
	v26 =	vmul.f32 $1.000000000e+01, v26  }
0x105: {  	v36 =	vsel vm15, v18, v56;
	v18 =	vmul.f32 v19, v4;
	v19 =	vmul.f32 v21, v5  }
0x106: {  	v27 =	vadd.f32 $9.956066600e-01, v24;
	v21 =	vmul.f32 v23, v6;
	v23 =	vmul.f32 v54, v8  }
0x107: {  	v59 =	vsel vm13, v42, v43;
	v61 =	vmul.f32 $1.000000000e+01, v36;
	v62 =	vtrunc.f32 v22  }
0x108: {  	v26 =	vtrunc.f32 v26;
	v22 =	vnsel vm13, $0x0, v14;
	v29 =	vadd.f32 $9.956066600e-01, v18  }
0x109: {  	v18 =	vmul.f32 v28, v9;
	v28 =	vmul.f32 v31, v7;
	v30 =	vadd.f32 $9.956066600e-01, v21  }
0x10a: {  	v21 =	vmul.f32 $1.000000000e+01, v25;
	v24 =	vadd.f32 $9.956066600e-01, v23;
	v23 =	vmul.f32 $1.000000000e+01, v58  }
0x10b: {  	v31 =	vadd.f32 $9.956066600e-01, v19;
	v25 =	vmul.f32 $1.000000000e+01, v59;
	v35 =	vcvt.f32.s32 v62  }
0x10c: {  	v33 =	vtrunc.f32 v61;
	v19 =	vadd.f32 $9.956066600e-01, v18;
	v18 =	vadd.f32 $9.956066600e-01, v28  }
0x10d: {  	v28 =	vnsel vm10, $0x0, v11;
	v11 =	vnsel vm3, $0x0, v12;
	v12 =	vtrunc.f32 v21  }
0x10e: {  	v21 =	vnsel vm2, $0x0, v13;
	v13 =	vtrunc.f32 v23;
	v63 =	vtrunc.f32 v25  }
0x10f: {  	v25 =	vcvt.f32.s32 v32;
	v32 =	vcvt.f32.s32 v26;
	v23 =	vnsel vm15, $0x0, v15  }
0x110: {  	[tilespmem:v44+s17+$0x0] =	vst.idx.add.f32.msk $0xffff, v2;
	v26 =	vshll.u32 v35, $0x4;
	v15 =	vcvt.f32.s32 v12;
	v14 =	vcvt.f32.s32 v13  }
0x111: {  	s26 =	simm.s32 $0x0;
	s28 =	simm.s32 $0x40C0;
	[tilespmem:v55+s17+$0x0] =	vst.idx.add.f32.msk $0xffff, v20;
	v13 =	vcvt.f32.s32 v63;
	v12 =	vcvt.f32.s32 v33;
	v25 =	vshll.u32 v25, $0x4  }
.LBB2_5:
0x112: {  	v20 =	vld [tilespmem:s28+$0x30];
	v10 =	vmul.f32 v27, v10;
	v4 =	vmul.f32 v29, v4;
	v27 =	vshll.u32 v32, $0x4  }
0x113: {  	s26 =	sadd.s32 $0x8, s26;
	v5 =	vmul.f32 v31, v5;
	v6 =	vmul.f32 v30, v6;
	v30 =	vshll.u32 v15, $0x4;
	v29 =	vld [tilespmem:s28+$0xFFFFFFD0]  }
0x114: {  	v8 =	vmul.f32 v24, v8;
	v31 =	vshll.u32 v14, $0x4;
	v9 =	vmul.f32 v19, v9;
	p1 =	slt.u32 s26, $0x3F8;
	v15 =	vld [tilespmem:s28+$0xFFFFFFE0]  }
0x115: {  	v7 =	vmul.f32 v18, v7;
	v33 =	vshll.u32 v13, $0x4;
	v34 =	vshll.u32 v12, $0x4;
	v32 =	vld [tilespmem:s28+$0xFFFFFFF0]  }
0x116: {  	v13 =	vor.u32 v0, v25;
	v10 =	vadd.f32 v10, v17;
	v36 =	vadd.f32 v4, v16;
	v35 =	vld [tilespmem:s28+$0x0]  }
0x117: {  	v24 =	vadd.f32 v5, v28;
	v19 =	vadd.f32 v6, v11;
	v4 =	vld [tilespmem:s28+$0x10];
	v17 =	vand.u32 $0x7FFFFFFF, v20  }
0x118: {  	v16 =	vand.u32 $0x7FFFFFFF, v29;
	vm0 =	vgt.f32 v29, $0.0e+00;
	v5 =	vld [tilespmem:s28+$0x20];
	v6 =	vsub.f32 $0.0e+00, v17  }
0x119: {  	v28 =	vld [tilespmem:s28+$0xFFFFFFC0];
	v14 =	vsub.f32 $0.0e+00, v16;
	v11 =	vand.u32 $0x7FFFFFFF, v15;
	vm1 =	vgt.f32 v15, $0.0e+00  }
0x11a: {  	v18 =	vsub.f32 $0.0e+00, v11;
	v12 =	vand.u32 $0x7FFFFFFF, v32;
	v6 =	vmul.f32 $1.442695020e+00, v6  }
0x11b: {  	v29 =	vmul.f32 $1.442695020e+00, v14;
	v37 =	vsub.f32 $0.0e+00, v12;
	v15 =	vand.u32 $0x7FFFFFFF, v35;
	[tilespmem:v13+s17+$0x0] =	vst.idx.add.f32.msk $0xffff, v2  }
0x11c: {  	v38 =	vsub.f32 $0.0e+00, v15;
	v13 =	vand.u32 $0x7FFFFFFF, v4;
	(erf) = vpow2.f32 v6  }
0x11d: {  	v6 =	vmul.f32 $1.442695020e+00, v18;
	v39 =	vsub.f32 $0.0e+00, v13;
	v14 =	vand.u32 $0x7FFFFFFF, v5  }
0x11e: {  	v37 =	vmul.f32 $1.442695020e+00, v37;
	v18 =	vand.u32 $0x7FFFFFFF, v28;
	v40 =	vsub.f32 $0.0e+00, v14  }
0x11f: {  	v38 =	vmul.f32 $1.442695020e+00, v38;
	v41 =	vsub.f32 $0.0e+00, v18;
	v39 =	vmul.f32 $1.442695020e+00, v39  }
0x120: {  	vm5 =	vgt.f32 v28, $0.0e+00;
	v28 =	vmul.f32 $1.442695020e+00, v40;
	(erf) = vpow2.f32 v29  }
0x121: {  	vm2 =	vgt.f32 v32, $0.0e+00;
	v29 =	vmul.f32 $1.442695020e+00, v41;
	(erf) = vpow2.f32 v6  }
0x122: {  	vm3 =	vgt.f32 v35, $0.0e+00;
	vm4 =	vgt.f32 v4, $0.0e+00;
	(erf) = vpow2.f32 v37  }
0x123: {  	vm6 =	vgt.f32 v5, $0.0e+00;
	(erf) = vpow2.f32 v29;
	v29 =	vadd.f32 v8, v21  }
0x124: {  	v22 =	vadd.f32 v9, v22;
	v21 =	vadd.f32 v7, v23;
	(erf) = vpow2.f32 v38  }
0x125: {  	v6 =	vadd.s32 v3, v25;
	v7 =	vor.u32 v0, v26;
	(erf) = vpow2.f32 v39;
	v23 =	vpop (erf)  }
0x126: {  	v8 =	vadd.s32 v3, v26;
	v5 =	vadd.f32 $1.000000000e+00, v23;
	(erf) = vpow2.f32 v28  }
0x127: {  	v25 =	vor.u32 v0, v27;
	v26 =	vadd.s32 v3, v27;
	v27 =	vor.u32 v0, v30  }
0x128: {  	v28 =	vadd.s32 v3, v30;
	v30 =	vor.u32 v0, v31;
	(erf) = vrcp.f32 v5  }
0x129: {  	v32 =	vor.u32 v0, v33;
	v33 =	vadd.s32 v3, v33;
	v31 =	vadd.s32 v3, v31;
	v4 =	vpop (erf)  }
0x12a: {  	v37 =	vor.u32 v0, v34;
	v9 =	vadd.f32 $1.000000000e+00, v4;
	v35 =	vmul.f32 $1.410264520e-01, v4;
	v5 =	vpop (erf);
	[tilespmem:v6+s17+$0x0] =	vst.idx.add.f32.msk $0xffff, v10  }
0x12b: {  	v34 =	vadd.s32 v3, v34;
	v38 =	vadd.f32 $1.000000000e+00, v5;
	v39 =	vmul.f32 $1.410264520e-01, v5;
	v6 =	vpop (erf);
	[tilespmem:v7+s17+$0x0] =	vst.idx.add.f32.msk $0xffff, v2  }
0x12c: {  	s25 =	sadd.s32 $0x80, s25;
	v48 =	vadd.f32 $1.000000000e+00, v6;
	v40 =	vmul.f32 $1.410264520e-01, v6;
	v10 =	vpop (erf);
	(erf) = vrcp.f32 v9;
	[tilespmem:v8+s17+$0x0] =	vst.idx.add.f32.msk $0xffff, v36  }
0x12d: {  	v36 =	vadd.f32 $1.000000000e+00, v10;
	v41 =	vmul.f32 $1.410264520e-01, v10;
	v42 =	vld [tilespmem:s25+$0x30];
	(erf) = vrcp.f32 v38;
	v8 =	vpop (erf)  }
0x12e: {  	v38 =	vld [tilespmem:s25+$0xFFFFFFC0];
	v43 =	vadd.f32 $1.000000000e+00, v8;
	v44 =	vmul.f32 $1.410264520e-01, v8;
	(erf) = vrcp.f32 v48;
	v9 =	vpop (erf)  }
0x12f: {  	v45 =	vld [tilespmem:s25+$0xFFFFFFD0];
	v50 =	vadd.f32 $1.000000000e+00, v9;
	v47 =	vmul.f32 $1.410264520e-01, v9;
	(erf) = vrcp.f32 v36;
	v7 =	vpop (erf)  }
0x130: {  	v36 =	vld [tilespmem:s25+$0xFFFFFFE0];
	v48 =	vadd.f32 $1.000000000e+00, v7;
	v49 =	vmul.f32 $1.410264520e-01, v7;
	(erf) = vrcp.f32 v43  }
0x131: {  	v35 =	vadd.f32 $-4.402968880e-01, v35;
	v41 =	vadd.f32 $-4.402968880e-01, v41;
	v43 =	vld [tilespmem:s25+$0xFFFFFFF0];
	(erf) = vrcp.f32 v50;
	v46 =	vpop (erf)  }
0x132: {  	vm8 =	vgt.f32 v20, $0.0e+00;
	v50 =	vld [tilespmem:s25+$0x0];
	vm7 =	veq.s32 v42, $0x1;
	v20 =	vmul.f32 v46, v23  }
0x133: {  	v39 =	vadd.f32 $-4.402968880e-01, v39;
	v42 =	vld [tilespmem:s25+$0x10];
	vm7 =	vmxor vm8, vm7;
	(erf) = vrcp.f32 v48  }
0x134: {  	v40 =	vadd.f32 $-4.402968880e-01, v40;
	v44 =	vadd.f32 $-4.402968880e-01, v44;
	v48 =	vld [tilespmem:s25+$0x20];
	v20 =	vsel vm7, v46, v20  }
0x135: {  	v52 =	vmul.f32 $1.410264520e-01, v23;
	v46 =	vadd.f32 $-4.402968880e-01, v47;
	v20 =	vmul.f32 $1.000000000e+01, v20;
	v51 =	vpop (erf);
	[tilespmem:v25+s17+$0x0] =	vst.idx.add.f32.msk $0xffff, v2  }
0x136: {  	vm8 =	veq.s32 v38, $0x1;
	v38 =	vadd.f32 $-4.402968880e-01, v49;
	v25 =	vmul.f32 v51, v4;
	v49 =	vpop (erf);
	[tilespmem:v26+s17+$0x0] =	vst.idx.add.f32.msk $0xffff, v24  }
0x137: {  	v26 =	vadd.f32 $-4.402968880e-01, v52;
	v24 =	vmul.f32 v49, v5;
	v20 =	vtrunc.f32 v20;
	v47 =	vpop (erf);
	[tilespmem:v27+s17+$0x0] =	vst.idx.add.f32.msk $0xffff, v2  }
0x138: {  	vm9 =	veq.s32 v45, $0x1;
	v27 =	vmul.f32 v47, v6;
	v20 =	vcvt.f32.s32 v20;
	v45 =	vpop (erf);
	[tilespmem:v28+s17+$0x0] =	vst.idx.add.f32.msk $0xffff, v19  }
0x139: {  	vm10 =	veq.s32 v36, $0x1;
	v26 =	vmul.f32 v26, v23;
	v19 =	vmul.f32 v45, v10;
	v28 =	vpop (erf);
	[tilespmem:v30+s17+$0x0] =	vst.idx.add.f32.msk $0xffff, v2  }
0x13a: {  	vm11 =	veq.s32 v43, $0x1;
	v30 =	vmul.f32 v28, v8;
	v20 =	vshll.u32 v20, $0x4;
	v36 =	vpop (erf);
	[tilespmem:v31+s17+$0x0] =	vst.idx.add.f32.msk $0xffff, v29  }
0x13b: {  	v26 =	vadd.f32 $9.956066600e-01, v26;
	v29 =	vmul.f32 v36, v9;
	v31 =	vor.u32 v0, v20;
	[tilespmem:v32+s17+$0x0] =	vst.idx.add.f32.msk $0xffff, v2  }
0x13c: {  	vm12 =	veq.s32 v50, $0x1;
	vm13 =	veq.s32 v42, $0x1;
	v20 =	vadd.s32 v3, v20;
	v32 =	vpop (erf);
	[tilespmem:v33+s17+$0x0] =	vst.idx.add.f32.msk $0xffff, v22  }
0x13d: {  	vm14 =	veq.s32 v48, $0x1;
	v23 =	vmul.f32 v26, v23;
	v22 =	vmul.f32 v32, v7;
	[tilespmem:v37+s17+$0x0] =	vst.idx.add.f32.msk $0xffff, v2  }
0x13e: {  	vm8 =	vmxor vm5, vm8;
	v17 =	vnsel vm7, $0x0, v17;
	vm9 =	vmxor vm0, vm9;
	[tilespmem:v34+s17+$0x0] =	vst.idx.add.f32.msk $0xffff, v21  }
0x13f: {  	vm5 =	vmxor vm1, vm10;
	vm2 =	vmxor vm2, vm11;
	v21 =	vadd.f32 v23, v17  }
0x140: {  	vm3 =	vmxor vm3, vm12;
	vm1 =	vmxor vm4, vm13;
	vm0 =	vmxor vm6, vm14;
	[tilespmem:v31+s17+$0x0] =	vst.idx.add.f32.msk $0xffff, v2  }
0x141: {  	v19 =	vsel vm8, v45, v19;
	v17 =	vnsel vm8, $0x0, v18;
	v18 =	vsel vm9, v51, v25;
	[tilespmem:v20+s17+$0x0] =	vst.idx.add.f32.msk $0xffff, v21  }
0x142: {  	v23 =	vsel vm3, v28, v30;
	v20 =	vsel vm5, v49, v24;
	v21 =	vsel vm2, v47, v27  }
0x143: {  	v25 =	vsel vm1, v36, v29;
	v22 =	vsel vm0, v32, v22;
	v24 =	vmul.f32 v41, v10  }
0x144: {  	v16 =	vnsel vm9, $0x0, v16;
	v26 =	vmul.f32 v35, v4;
	v28 =	vmul.f32 v39, v5  }
0x145: {  	v32 =	vmul.f32 v44, v8;
	v27 =	vadd.f32 $9.956066600e-01, v24;
	v24 =	vmul.f32 v40, v6  }
0x146: {  	v33 =	vmul.f32 v38, v7;
	v29 =	vadd.f32 $9.956066600e-01, v26;
	v26 =	vmul.f32 v46, v9  }
0x147: {  	v34 =	vmul.f32 $1.000000000e+01, v19;
	v35 =	vmul.f32 $1.000000000e+01, v18;
	v31 =	vadd.f32 $9.956066600e-01, v28  }
0x148: {  	v20 =	vmul.f32 $1.000000000e+01, v20;
	v21 =	vmul.f32 $1.000000000e+01, v21;
	v30 =	vadd.f32 $9.956066600e-01, v24  }
0x149: {  	v23 =	vmul.f32 $1.000000000e+01, v23;
	v25 =	vmul.f32 $1.000000000e+01, v25;
	v24 =	vadd.f32 $9.956066600e-01, v32  }
0x14a: {  	v18 =	vadd.f32 $9.956066600e-01, v33;
	v19 =	vadd.f32 $9.956066600e-01, v26;
	v26 =	vmul.f32 $1.000000000e+01, v22  }
0x14b: {  	v22 =	vtrunc.f32 v34;
	v28 =	vnsel vm5, $0x0, v11;
	v32 =	vtrunc.f32 v35  }
0x14c: {  	v11 =	vnsel vm2, $0x0, v12;
	v20 =	vtrunc.f32 v20;
	v12 =	vtrunc.f32 v21  }
.Ltmp3:
0x14d: {  	v33 =	vtrunc.f32 v23;
	v34 =	vtrunc.f32 v25;
	v21 =	vnsel vm3, $0x0, v15;
	(pc) =	sbr.rel @p1 .LBB2_5-.Ltmp3, $4  }
0x14e: {  	v15 =	vcvt.f32.s32 v22;
	v22 =	vnsel vm1, $0x0, v13;
	v35 =	vtrunc.f32 v26  }
0x14f: {  	v23 =	vnsel vm0, $0x0, v14;
	v13 =	vcvt.f32.s32 v32;
	v32 =	vcvt.f32.s32 v20  }
0x150: {  	v14 =	vcvt.f32.s32 v33;
	v25 =	vshll.u32 v15, $0x4;
	v15 =	vcvt.f32.s32 v12  }
0x151: {  	s28 =	sadd.s32 $0x80, s28;
	v12 =	vcvt.f32.s32 v35;
	v26 =	vshll.u32 v13, $0x4;
	v13 =	vcvt.f32.s32 v34  }
0x152: {  	v20 =	vor.u32 v0, v25  }
0x153: {  	v52 =	vor.u32 v0, v26  }
0x154: {  	v51 =	vadd.s32 v3, v25  }
0x155: {  	v10 =	vmul.f32 v27, v10;
	v32 =	vshll.u32 v32, $0x4;
	v53 =	vadd.s32 v3, v26  }
0x156: {  	v4 =	vmul.f32 v29, v4;
	v15 =	vshll.u32 v15, $0x4;
	v54 =	vor.u32 v0, v32  }
0x157: {  	v57 =	vshll.u32 v14, $0x4;
	v56 =	vor.u32 v0, v15;
	v10 =	vadd.f32 v10, v17;
	[tilespmem:v20+s17+$0x0] =	vst.idx.add.f32.msk $0xffff, v2  }
0x158: {  	v59 =	vor.u32 v0, v57;
	v4 =	vadd.f32 v4, v16;
	[tilespmem:v52+s17+$0x0] =	vst.idx.add.f32.msk $0xffff, v2  }
0x159: {  	v55 =	vadd.s32 v3, v32;
	[tilespmem:v51+s17+$0x0] =	vst.idx.add.f32.msk $0xffff, v10  }
0x15a: {  	v5 =	vmul.f32 v31, v5;
	v58 =	vadd.s32 v3, v15;
	v60 =	vshll.u32 v13, $0x4;
	[tilespmem:v53+s17+$0x0] =	vst.idx.add.f32.msk $0xffff, v4  }
0x15b: {  	v6 =	vmul.f32 v30, v6;
	v62 =	vshll.u32 v12, $0x4;
	v61 =	vor.u32 v0, v60;
	[tilespmem:v54+s17+$0x0] =	vst.idx.add.f32.msk $0xffff, v2  }
0x15c: {  	v5 =	vadd.f32 v5, v28;
	v12 =	vor.u32 v0, v62;
	[tilespmem:v56+s17+$0x0] =	vst.idx.add.f32.msk $0xffff, v2  }
0x15d: {  	v6 =	vadd.f32 v6, v11;
	v10 =	vadd.s32 v3, v57;
	[tilespmem:v59+s17+$0x0] =	vst.idx.add.f32.msk $0xffff, v2  }
0x15e: {  	v4 =	vmul.f32 v24, v8;
	v8 =	vadd.s32 v3, v60;
	[tilespmem:v55+s17+$0x0] =	vst.idx.add.f32.msk $0xffff, v5  }
0x15f: {  	v63 =	vadd.s32 v3, v62;
	v5 =	vmul.f32 v19, v9;
	[tilespmem:v58+s17+$0x0] =	vst.idx.add.f32.msk $0xffff, v6  }
.Ltmp4:
0x160: {  	v7 =	vmul.f32 v18, v7;
	[tilespmem:v61+s17+$0x0] =	vst.idx.add.f32.msk $0xffff, v2;
	v4 =	vadd.f32 v4, v21;
	(pc) =	sbr.rel @p0 .LBB2_8-.Ltmp4, $4  }
0x161: {  	[tilespmem:v12+s17+$0x0] =	vst.idx.add.f32.msk $0xffff, v2;
	v5 =	vadd.f32 v5, v22  }
0x162: {  	[tilespmem:v10+s17+$0x0] =	vst.idx.add.f32.msk $0xffff, v4;
	v4 =	vadd.f32 v7, v23  }
0x163: {  	[tilespmem:v8+s17+$0x0] =	vst.idx.add.f32.msk $0xffff, v5  }
0x164: {  	[tilespmem:v63+s17+$0x0] =	vst.idx.add.f32.msk $0xffff, v4  }
0x165: {  	s24 =	sadd.s32 s24, s10  }
.Ltmp5:
0x166: {  	s24 =	sshrl.u32 s24, $0x3;
	(pc) =	sbr.rel .LBB2_2-.Ltmp5, $4  }
0x167: {  	s25 =	sadd.s32 s1, s24  }
0x168: {  	[tilespmem:s14], [sflag:$0x2] =	stream.linear.gather [hbm4b:s25+s4], $0x4000, $0x38;
	[tilespmem:$0x10180] =	vst v63  }
0x169: {  	s23 =	sadd.s32 $0x1, s23;
	s24 =	sadd.s32 s3, s24  }
0x16a: {  	[tilespmem:s15], [sflag:$0x2] =	stream.linear.gather [hbm4b:s24+s4], $0x4000, $0x38;
	[tilespmem:$0x10180] =	vst v63  }
.LBB2_9:
0x16b: {  	_ =	sfence.sel $0x180000  }
0x16c: {  	[bflag:$0x0] =	sbarrier.arrive $0xFFFF  }
0x16d: {  	p0 =	sne.s32 s0, $0x0;
	_ =	strace $0x90000047  }
0x16e: {  	s0 =	sadd.s32 @!p0 $0x100000, s2;
	[bflag:$0x2] =	sbarrier.arrive $0xFFFF  }
0x16f: {  	[sflag:s0] =	ssyncadd.tile.s32 @!p0 $0x1;
	_ =	shalt  }
.Lfunc_end2:
_tile_overlayer_lowered:
.L_overlay_start_2:
0x170: {  	(tag) =	ssettag $0x2  }
0x171: {  	s0 =	rddreg [dreg:$0x0];
	s2 =	stileid.u32  }
0x172: {  	s1 =	rddreg [dreg:$0x1];
	p0 =	sne.s32 s2, $0x0  }
0x173: {  	s3 =	rddreg [dreg:$0x2];
	[bflag:$0x3] =	sbarrier.arrive $0xFFFF;
	s2 =	simm.s32 @!p0 $0x1C03  }
0x174: {  	[timem:s3], [sflag:s2] =	dma.local @!p0 [hbm:s0], s1  }
0x175: {  	s0 =	simm.s32 @!p0 $0x3  }
0x176: {  	_ =	swait.ge @!p0 [sflag:s0], s1  }
0x177: {  	s1 =	ssub.s32 @!p0 $0x0, s1;
	[sflag:s0] =	ssyncset.done @!p0 $0x0  }
0x178: {  	[sflag:s0] =	ssyncadd.s32 @!p0 s1  }
0x179: {  	[bflag:$0x3] =	sbarrier.arrive $0xFFFF  }
0x17a: {  	_ =	shalt  }

</sc_bundles>
